<compile_context>
chip_gen: v7x
topology: tpu7x:2x2x1
jax: 0.10.2.dev20260603
libtpu: 0.0.44.dev20260713+nightly
codegen_flags: <defaults>
</compile_context>

<pallas_src>
import functools

import jax
import jax.numpy as jnp
from jax import lax
from jax.experimental import pallas as pl
from jax.experimental.pallas import tpu as pltpu
from jax.experimental.pallas import tpu_sc as plsc

VOCAB_N = 1000000
DIM_N = 100
HIDDEN_N = 150
CLASSES_N = 1000
BATCH_N = 4096
SEQ_N = 200

_NC = 2
_NS = 16
_NW = _NC * _NS
_BPW = BATCH_N // _NW
_OFFS = (0, 16, 32, 48, 64, 80, 84)
_LL = 128
_U0 = 112
_O1 = 88
_U1 = SEQ_N - _U0


_DP = 128


def _repack(table):
  t_t = table.T
  vb = 8192

  def body(x_ref, o_ref):
    o_ref[:, 0:DIM_N] = x_ref[...].T

  return pl.pallas_call(
      body,
      grid=(pl.cdiv(VOCAB_N, vb),),
      in_specs=[pl.BlockSpec((DIM_N, vb), lambda j: (0, j))],
      out_specs=pl.BlockSpec((vb, _DP), lambda j: (j, 0)),
      out_shape=jax.ShapeDtypeStruct((VOCAB_N, _DP), jnp.float32),
  )(t_t)


def _sc_mean_pool(idx_flat, table):
  mesh = plsc.VectorSubcoreMesh(core_axis_name="c", subcore_axis_name="s")

  @functools.partial(
      pl.kernel,
      mesh=mesh,
      out_type=jax.ShapeDtypeStruct((BATCH_N, DIM_N), jnp.float32),
      scratch_types=[
          pltpu.VMEM((2, 2, _LL), jnp.int32),
          pltpu.VMEM((2, 2, _LL, _DP), jnp.float32),
          pltpu.VMEM((_BPW, DIM_N), jnp.float32),
          pltpu.SemaphoreType.DMA,
          pltpu.SemaphoreType.DMA,
          pltpu.SemaphoreType.DMA,
          pltpu.SemaphoreType.DMA,
      ],
  )
  def k(idx_hbm, table_hbm, out_hbm, idx_v, rows_v, pooled_v,
        isem0, isem1, gsem0, gsem1):
    wid = lax.axis_index("s") * _NC + lax.axis_index("c")
    base = wid * _BPW
    scale = jnp.float32(1.0 / SEQ_N)
    isems = (isem0, isem1)
    gsems = (gsem0, gsem1)

    def idx_copies(e, slot):
      fb = (base + e) * SEQ_N
      return (
          (idx_hbm.at[pl.ds(fb, _LL)], idx_v.at[slot, 0], isems[slot]),
          (idx_hbm.at[pl.ds(fb + _O1, _LL)], idx_v.at[slot, 1], isems[slot]),
      )

    def stage(e, slot):
      for src, dst, sem in idx_copies(e, slot):
        pltpu.async_copy(src, dst, sem)

    def wait_stage(e, slot):
      for src, dst, sem in idx_copies(e, slot):
        pltpu.make_async_copy(src, dst, sem).wait()

    def gather_copies(slot):
      return (
          (table_hbm.at[idx_v.at[slot, 0]], rows_v.at[slot, 0], gsems[slot]),
          (table_hbm.at[idx_v.at[slot, 1]], rows_v.at[slot, 1], gsems[slot]),
      )

    def fire(slot):
      for src, dst, sem in gather_copies(slot):
        pltpu.async_copy(src, dst, sem)

    def wait_gather(slot):
      for src, dst, sem in gather_copies(slot):
        pltpu.make_async_copy(src, dst, sem).wait()

    def accumulate(e, slot):
      def body0(r, accs):
        return tuple(
            a + rows_v[slot, 0, r, pl.ds(o, 16)] for a, o in zip(accs, _OFFS))

      def body1(r, accs):
        return tuple(
            a + rows_v[slot, 1, r, pl.ds(o, 16)] for a, o in zip(accs, _OFFS))

      zeros = tuple(jnp.zeros((16,), jnp.float32) for _ in _OFFS)
      accs = lax.fori_loop(0, _U0, body0, zeros)
      accs = lax.fori_loop(_U0 - _O1, _LL - 16, body1, accs)
      for a, o in zip(accs, _OFFS):
        pooled_v[e, pl.ds(o, 16)] = a * scale

    stage(0, 0)
    wait_stage(0, 0)
    fire(0)
    stage(1, 1)

    def pair_body(g, carry):
      e0 = 2 * g
      e1 = e0 + 1
      wait_stage(e1, 1)
      fire(1)
      wait_gather(0)

      @pl.when(g < _BPW // 2 - 1)
      def _():
        stage(e0 + 2, 0)

      accumulate(e0, 0)

      @pl.when(g < _BPW // 2 - 1)
      def _():
        wait_stage(e0 + 2, 0)
        fire(0)

      wait_gather(1)

      @pl.when(g < _BPW // 2 - 1)
      def _():
        stage(e1 + 2, 1)

      accumulate(e1, 1)
      return carry

    lax.fori_loop(0, _BPW // 2, pair_body, 0)
    pltpu.sync_copy(pooled_v, out_hbm.at[pl.ds(base, _BPW)])

  return k(idx_flat, table)


_BM = 512


def _mlp(pooled, W1, b1, W2, b2):
  def body(x_ref, w1_ref, b1_ref, w2_ref, b2_ref, o_ref):
    h = jnp.dot(x_ref[...], w1_ref[...], preferred_element_type=jnp.float32)
    h = h + b1_ref[...]
    o_ref[...] = (
        jnp.dot(h, w2_ref[...], preferred_element_type=jnp.float32) + b2_ref[...]
    )

  return pl.pallas_call(
      body,
      grid=(BATCH_N // _BM,),
      in_specs=[
          pl.BlockSpec((_BM, DIM_N), lambda i: (i, 0)),
          pl.BlockSpec((DIM_N, HIDDEN_N), lambda i: (0, 0)),
          pl.BlockSpec((1, HIDDEN_N), lambda i: (0, 0)),
          pl.BlockSpec((HIDDEN_N, CLASSES_N), lambda i: (0, 0)),
          pl.BlockSpec((1, CLASSES_N), lambda i: (0, 0)),
      ],
      out_specs=pl.BlockSpec((_BM, CLASSES_N), lambda i: (i, 0)),
      out_shape=jax.ShapeDtypeStruct((BATCH_N, CLASSES_N), jnp.float32),
  )(pooled, W1, b1, W2, b2)


def kernel(input_sentence, emb_table, W1, b1, W2, b2):
  idx_flat = jnp.concatenate(
      [input_sentence.reshape(-1), jnp.zeros((64,), input_sentence.dtype)])
  pooled = _sc_mean_pool(idx_flat, _repack(emb_table))
  return _mlp(pooled, W1, b1.reshape(1, HIDDEN_N), W2, b2.reshape(1, CLASSES_N))

# --- scband reference (transcript-rebuilt; emitter-appended) ---
"""Pipeline reference for scband-simplified-classifier-76046690943184 (READ-ONLY COPY).

The authoritative reference and input builder live on the scoring server;
editing this copy changes nothing except your own understanding.
"""

import jax, jax.numpy as jnp
import numpy as np

VOCAB = 1000000
DIM = 100
HIDDEN = 150
NUM_CLASSES = 1000
BATCH = 4096
SEQ = 200

def setup_inputs(seed: int = 0) -> dict:
    key = jax.random.key(seed)
    k1, k2, k3, k4, k5, k6 = jax.random.split(key, 6)
    input_sentence = jax.random.randint(k1, (BATCH, SEQ), 0, VOCAB, dtype=jnp.int64 if jax.config.jax_enable_x64 else jnp.int32)
    emb_table = jax.random.normal(k2, (VOCAB, DIM), dtype=jnp.float32) * 0.1
    W1 = jax.random.normal(k3, (DIM, HIDDEN), dtype=jnp.float32) * (1.0 / np.sqrt(DIM))
    b1 = jax.random.normal(k4, (HIDDEN,), dtype=jnp.float32) * 0.01
    W2 = jax.random.normal(k5, (HIDDEN, NUM_CLASSES), dtype=jnp.float32) * (1.0 / np.sqrt(HIDDEN))
    b2 = jax.random.normal(k6, (NUM_CLASSES,), dtype=jnp.float32) * 0.01
    return {"input_sentence": input_sentence, "emb_table": emb_table, "W1": W1, "b1": b1, "W2": W2, "b2": b2}

def reference(input_sentence, emb_table, W1, b1, W2, b2):
    # embedding lookup (gather) -> mean over sequence -> fc1 -> fc2
    x = jnp.take(emb_table, input_sentence, axis=0)        # [B, S, D]
    x_mean = jnp.mean(x, axis=1)                            # [B, D]
    final_hidden_state = x_mean @ W1 + b1                   # [B, H]
    logits = final_hidden_state @ W2 + b2                   # [B, C]
    return logits

if __name__ == "__main__":
    import jax
    _d = setup_inputs()
    print(jax.jit(kernel)(*tuple(_d.values())))

</pallas_src>

<mosaic_0001>
#map = affine_map<(d0, d1) -> (0)>
#map1 = affine_map<(d0, d1) -> (0, 0)>
module attributes {stable_mosaic.version = 14 : i64} {
  func.func @k(%arg0: i32, %arg1: i32, %arg2: memref<819264xi32, #tpu.memory_space<hbm>>, %arg3: memref<1000000x128xf32, #tpu.memory_space<hbm>>, %arg4: memref<4096x100xf32, #tpu.memory_space<hbm>>, %arg5: memref<2x2x128xi32, #tpu.memory_space<vmem>>, %arg6: memref<2x2x128x128xf32, #tpu.memory_space<vmem>>, %arg7: memref<128x100xf32, #tpu.memory_space<vmem>>, %arg8: memref<!tpu.dma_semaphore, #tpu.memory_space<semaphore_mem>>, %arg9: memref<!tpu.dma_semaphore, #tpu.memory_space<semaphore_mem>>, %arg10: memref<!tpu.dma_semaphore, #tpu.memory_space<semaphore_mem>>, %arg11: memref<!tpu.dma_semaphore, #tpu.memory_space<semaphore_mem>>) attributes {dimension_semantics = [#tpu.dimension_semantics<core_parallel>, #tpu.dimension_semantics<subcore_parallel>], iteration_bounds = array<i64: 2, 16>, scalar_prefetch = 0 : i64, scratch_operands = 7 : i64, tpu.core_type = #tpu.core_type<sc_vector_subcore>, window_params = [{transform_indices = #map}, {transform_indices = #map1}, {transform_indices = #map1}]} {
    %mul3A = arith.constant 2 : i32
    %mul3A_0 = arith.muli %arg1, %mul3A : i32
    %add3A = arith.addi %mul3A_0, %arg0 : i32
    %mul3A_1 = arith.constant 128 : i32
    %mul3A_2 = arith.muli %add3A, %mul3A_1 : i32
    %add3A_3 = arith.constant 0 : i32
    %add3A_4 = arith.addi %mul3A_2, %add3A_3 : i32
    %mul3A_5 = arith.constant 200 : i32
    %mul3A_6 = arith.muli %add3A_4, %mul3A_5 : i32
    %add3A_7 = arith.constant 88 : i32
    %add3A_8 = arith.addi %mul3A_6, %add3A_7 : i32
    %dma_start3A = arith.constant 0 : i32
    %dma_start3A_9 = arith.constant 0 : i32
    %dma_start3A_10 = arith.constant 0 : i32
    %dma_start3A_11 = tpu.memref_slice %arg5[%dma_start3A, %dma_start3A_9, %dma_start3A_10] : memref<2x2x128xi32, #tpu.memory_space<vmem>> -> memref<1x1x128xi32, #tpu.memory_space<vmem>>
    %dma_start3A_12 = tpu.memref_squeeze %dma_start3A_11 : memref<1x1x128xi32, #tpu.memory_space<vmem>> -> memref<128xi32, #tpu.memory_space<vmem>>
    %dma_start3A_13 = tpu.memref_slice %arg2[%mul3A_6] : memref<819264xi32, #tpu.memory_space<hbm>> -> memref<128xi32, #tpu.memory_space<hbm>>
    %dma_start3A_14 = arith.constant 0 : i32
    %dma_start3A_15 = tpu.memref_slice %arg5[%dma_start3A, %dma_start3A_9, %dma_start3A_14] : memref<2x2x128xi32, #tpu.memory_space<vmem>> -> memref<1x1x128xi32, #tpu.memory_space<vmem>>
    %dma_start3A_16 = tpu.memref_squeeze %dma_start3A_15 : memref<1x1x128xi32, #tpu.memory_space<vmem>> -> memref<128xi32, #tpu.memory_space<vmem>>
    %dma_start3A_17 = tpu.memref_slice %arg2[%mul3A_6] : memref<819264xi32, #tpu.memory_space<hbm>> -> memref<128xi32, #tpu.memory_space<hbm>>
    tpu.enqueue_dma source(%dma_start3A_17 : memref<128xi32, #tpu.memory_space<hbm>>) target(%dma_start3A_16 : memref<128xi32, #tpu.memory_space<vmem>>) target_semaphore(%arg8 : memref<!tpu.dma_semaphore, #tpu.memory_space<semaphore_mem>>)
    %dma_start3A_18 = arith.constant 0 : i32
    %dma_start3A_19 = arith.constant 1 : i32
    %dma_start3A_20 = arith.constant 0 : i32
    %dma_start3A_21 = tpu.memref_slice %arg5[%dma_start3A_18, %dma_start3A_19, %dma_start3A_20] : memref<2x2x128xi32, #tpu.memory_space<vmem>> -> memref<1x1x128xi32, #tpu.memory_space<vmem>>
    %dma_start3A_22 = tpu.memref_squeeze %dma_start3A_21 : memref<1x1x128xi32, #tpu.memory_space<vmem>> -> memref<128xi32, #tpu.memory_space<vmem>>
    %dma_start3A_23 = tpu.memref_slice %arg2[%add3A_8] : memref<819264xi32, #tpu.memory_space<hbm>> -> memref<128xi32, #tpu.memory_space<hbm>>
    %dma_start3A_24 = arith.constant 0 : i32
    %dma_start3A_25 = tpu.memref_slice %arg5[%dma_start3A_18, %dma_start3A_19, %dma_start3A_24] : memref<2x2x128xi32, #tpu.memory_space<vmem>> -> memref<1x1x128xi32, #tpu.memory_space<vmem>>
    %dma_start3A_26 = tpu.memref_squeeze %dma_start3A_25 : memref<1x1x128xi32, #tpu.memory_space<vmem>> -> memref<128xi32, #tpu.memory_space<vmem>>
    %dma_start3A_27 = tpu.memref_slice %arg2[%add3A_8] : memref<819264xi32, #tpu.memory_space<hbm>> -> memref<128xi32, #tpu.memory_space<hbm>>
    tpu.enqueue_dma source(%dma_start3A_27 : memref<128xi32, #tpu.memory_space<hbm>>) target(%dma_start3A_26 : memref<128xi32, #tpu.memory_space<vmem>>) target_semaphore(%arg8 : memref<!tpu.dma_semaphore, #tpu.memory_space<semaphore_mem>>)
    %add3A_28 = arith.constant 0 : i32
    %add3A_29 = arith.addi %mul3A_2, %add3A_28 : i32
    %mul3A_30 = arith.constant 200 : i32
    %mul3A_31 = arith.muli %add3A_29, %mul3A_30 : i32
    %add3A_32 = arith.constant 88 : i32
    %add3A_33 = arith.addi %mul3A_31, %add3A_32 : i32
    %dma_wait3A = arith.constant 0 : i32
    %dma_wait3A_34 = arith.constant 0 : i32
    %dma_wait3A_35 = arith.constant 0 : i32
    %dma_wait3A_36 = tpu.memref_slice %arg5[%dma_wait3A, %dma_wait3A_34, %dma_wait3A_35] : memref<2x2x128xi32, #tpu.memory_space<vmem>> -> memref<1x1x128xi32, #tpu.memory_space<vmem>>
    %dma_wait3A_37 = tpu.memref_squeeze %dma_wait3A_36 : memref<1x1x128xi32, #tpu.memory_space<vmem>> -> memref<128xi32, #tpu.memory_space<vmem>>
    %dma_wait3A_38 = tpu.memref_slice %arg2[%mul3A_31] : memref<819264xi32, #tpu.memory_space<hbm>> -> memref<128xi32, #tpu.memory_space<hbm>>
    %dma_wait3A_39 = arith.constant 0 : i32
    %dma_wait3A_40 = tpu.memref_slice %arg5[%dma_wait3A, %dma_wait3A_34, %dma_wait3A_39] : memref<2x2x128xi32, #tpu.memory_space<vmem>> -> memref<1x1x128xi32, #tpu.memory_space<vmem>>
    %dma_wait3A_41 = tpu.memref_squeeze %dma_wait3A_40 : memref<1x1x128xi32, #tpu.memory_space<vmem>> -> memref<128xi32, #tpu.memory_space<vmem>>
    %dma_wait3A_42 = tpu.memref_slice %arg2[%mul3A_31] : memref<819264xi32, #tpu.memory_space<hbm>> -> memref<128xi32, #tpu.memory_space<hbm>>
    tpu.wait_dma2 semaphore(%arg8 : memref<!tpu.dma_semaphore, #tpu.memory_space<semaphore_mem>>) src(%dma_wait3A_42 : memref<128xi32, #tpu.memory_space<hbm>>) dst(%dma_wait3A_41 : memref<128xi32, #tpu.memory_space<vmem>>)
    %dma_wait3A_43 = arith.constant 0 : i32
    %dma_wait3A_44 = arith.constant 1 : i32
    %dma_wait3A_45 = arith.constant 0 : i32
    %dma_wait3A_46 = tpu.memref_slice %arg5[%dma_wait3A_43, %dma_wait3A_44, %dma_wait3A_45] : memref<2x2x128xi32, #tpu.memory_space<vmem>> -> memref<1x1x128xi32, #tpu.memory_space<vmem>>
    %dma_wait3A_47 = tpu.memref_squeeze %dma_wait3A_46 : memref<1x1x128xi32, #tpu.memory_space<vmem>> -> memref<128xi32, #tpu.memory_space<vmem>>
    %dma_wait3A_48 = tpu.memref_slice %arg2[%add3A_33] : memref<819264xi32, #tpu.memory_space<hbm>> -> memref<128xi32, #tpu.memory_space<hbm>>
    %dma_wait3A_49 = arith.constant 0 : i32
    %dma_wait3A_50 = tpu.memref_slice %arg5[%dma_wait3A_43, %dma_wait3A_44, %dma_wait3A_49] : memref<2x2x128xi32, #tpu.memory_space<vmem>> -> memref<1x1x128xi32, #tpu.memory_space<vmem>>
    %dma_wait3A_51 = tpu.memref_squeeze %dma_wait3A_50 : memref<1x1x128xi32, #tpu.memory_space<vmem>> -> memref<128xi32, #tpu.memory_space<vmem>>
    %dma_wait3A_52 = tpu.memref_slice %arg2[%add3A_33] : memref<819264xi32, #tpu.memory_space<hbm>> -> memref<128xi32, #tpu.memory_space<hbm>>
    tpu.wait_dma2 semaphore(%arg8 : memref<!tpu.dma_semaphore, #tpu.memory_space<semaphore_mem>>) src(%dma_wait3A_52 : memref<128xi32, #tpu.memory_space<hbm>>) dst(%dma_wait3A_51 : memref<128xi32, #tpu.memory_space<vmem>>)
    %dma_start3A_53 = arith.constant 0 : i32
    %dma_start3A_54 = arith.constant 0 : i32
    %dma_start3A_55 = arith.constant 0 : i32
    %dma_start3A_56 = arith.constant 0 : i32
    %dma_start3A_57 = arith.constant 0 : i32
    %dma_start3A_58 = arith.constant 0 : i32
    %dma_start3A_59 = tpu.memref_slice %arg6[%dma_start3A_55, %dma_start3A_56, %dma_start3A_57, %dma_start3A_58] : memref<2x2x128x128xf32, #tpu.memory_space<vmem>> -> memref<1x1x128x128xf32, #tpu.memory_space<vmem>>
    %dma_start3A_60 = tpu.memref_squeeze %dma_start3A_59 : memref<1x1x128x128xf32, #tpu.memory_space<vmem>> -> memref<128x128xf32, #tpu.memory_space<vmem>>
    %dma_start3A_61 = arith.constant 0 : i32
    %dma_start3A_62 = tpu.memref_slice %arg5[%dma_start3A_53, %dma_start3A_54, %dma_start3A_61] : memref<2x2x128xi32, #tpu.memory_space<vmem>> -> memref<1x1x128xi32, #tpu.memory_space<vmem>>
    %dma_start3A_63 = tpu.memref_squeeze %dma_start3A_62 : memref<1x1x128xi32, #tpu.memory_space<vmem>> -> memref<128xi32, #tpu.memory_space<vmem>>
    %dma_start3A_64 = arith.constant 0 : i32
    %dma_start3A_65 = arith.constant 0 : i32
    %dma_start3A_66 = tpu.memref_slice %arg3[%dma_start3A_64, %dma_start3A_65] : memref<1000000x128xf32, #tpu.memory_space<hbm>> -> memref<1000000x128xf32, #tpu.memory_space<hbm>>
    tpu.enqueue_indirect_dma source(%dma_start3A_66 : memref<1000000x128xf32, #tpu.memory_space<hbm>>) target(%dma_start3A_60 : memref<128x128xf32, #tpu.memory_space<vmem>>) offsets(%dma_start3A_63 : memref<128xi32, #tpu.memory_space<vmem>>) semaphore(%arg10 : memref<!tpu.dma_semaphore, #tpu.memory_space<semaphore_mem>>)
    %dma_start3A_67 = arith.constant 0 : i32
    %dma_start3A_68 = arith.constant 1 : i32
    %dma_start3A_69 = arith.constant 0 : i32
    %dma_start3A_70 = arith.constant 1 : i32
    %dma_start3A_71 = arith.constant 0 : i32
    %dma_start3A_72 = arith.constant 0 : i32
    %dma_start3A_73 = tpu.memref_slice %arg6[%dma_start3A_69, %dma_start3A_70, %dma_start3A_71, %dma_start3A_72] : memref<2x2x128x128xf32, #tpu.memory_space<vmem>> -> memref<1x1x128x128xf32, #tpu.memory_space<vmem>>
    %dma_start3A_74 = tpu.memref_squeeze %dma_start3A_73 : memref<1x1x128x128xf32, #tpu.memory_space<vmem>> -> memref<128x128xf32, #tpu.memory_space<vmem>>
    %dma_start3A_75 = arith.constant 0 : i32
    %dma_start3A_76 = tpu.memref_slice %arg5[%dma_start3A_67, %dma_start3A_68, %dma_start3A_75] : memref<2x2x128xi32, #tpu.memory_space<vmem>> -> memref<1x1x128xi32, #tpu.memory_space<vmem>>
    %dma_start3A_77 = tpu.memref_squeeze %dma_start3A_76 : memref<1x1x128xi32, #tpu.memory_space<vmem>> -> memref<128xi32, #tpu.memory_space<vmem>>
    %dma_start3A_78 = arith.constant 0 : i32
    %dma_start3A_79 = arith.constant 0 : i32
    %dma_start3A_80 = tpu.memref_slice %arg3[%dma_start3A_78, %dma_start3A_79] : memref<1000000x128xf32, #tpu.memory_space<hbm>> -> memref<1000000x128xf32, #tpu.memory_space<hbm>>
    tpu.enqueue_indirect_dma source(%dma_start3A_80 : memref<1000000x128xf32, #tpu.memory_space<hbm>>) target(%dma_start3A_74 : memref<128x128xf32, #tpu.memory_space<vmem>>) offsets(%dma_start3A_77 : memref<128xi32, #tpu.memory_space<vmem>>) semaphore(%arg10 : memref<!tpu.dma_semaphore, #tpu.memory_space<semaphore_mem>>)
    %add3A_81 = arith.constant 1 : i32
    %add3A_82 = arith.addi %mul3A_2, %add3A_81 : i32
    %mul3A_83 = arith.constant 200 : i32
    %mul3A_84 = arith.muli %add3A_82, %mul3A_83 : i32
    %add3A_85 = arith.constant 88 : i32
    %add3A_86 = arith.addi %mul3A_84, %add3A_85 : i32
    %dma_start3A_87 = arith.constant 1 : i32
    %dma_start3A_88 = arith.constant 0 : i32
    %dma_start3A_89 = arith.constant 0 : i32
    %dma_start3A_90 = tpu.memref_slice %arg5[%dma_start3A_87, %dma_start3A_88, %dma_start3A_89] : memref<2x2x128xi32, #tpu.memory_space<vmem>> -> memref<1x1x128xi32, #tpu.memory_space<vmem>>
    %dma_start3A_91 = tpu.memref_squeeze %dma_start3A_90 : memref<1x1x128xi32, #tpu.memory_space<vmem>> -> memref<128xi32, #tpu.memory_space<vmem>>
    %dma_start3A_92 = tpu.memref_slice %arg2[%mul3A_84] : memref<819264xi32, #tpu.memory_space<hbm>> -> memref<128xi32, #tpu.memory_space<hbm>>
    %dma_start3A_93 = arith.constant 0 : i32
    %dma_start3A_94 = tpu.memref_slice %arg5[%dma_start3A_87, %dma_start3A_88, %dma_start3A_93] : memref<2x2x128xi32, #tpu.memory_space<vmem>> -> memref<1x1x128xi32, #tpu.memory_space<vmem>>
    %dma_start3A_95 = tpu.memref_squeeze %dma_start3A_94 : memref<1x1x128xi32, #tpu.memory_space<vmem>> -> memref<128xi32, #tpu.memory_space<vmem>>
    %dma_start3A_96 = tpu.memref_slice %arg2[%mul3A_84] : memref<819264xi32, #tpu.memory_space<hbm>> -> memref<128xi32, #tpu.memory_space<hbm>>
    tpu.enqueue_dma source(%dma_start3A_96 : memref<128xi32, #tpu.memory_space<hbm>>) target(%dma_start3A_95 : memref<128xi32, #tpu.memory_space<vmem>>) target_semaphore(%arg9 : memref<!tpu.dma_semaphore, #tpu.memory_space<semaphore_mem>>)
    %dma_start3A_97 = arith.constant 1 : i32
    %dma_start3A_98 = arith.constant 1 : i32
    %dma_start3A_99 = arith.constant 0 : i32
    %dma_start3A_100 = tpu.memref_slice %arg5[%dma_start3A_97, %dma_start3A_98, %dma_start3A_99] : memref<2x2x128xi32, #tpu.memory_space<vmem>> -> memref<1x1x128xi32, #tpu.memory_space<vmem>>
    %dma_start3A_101 = tpu.memref_squeeze %dma_start3A_100 : memref<1x1x128xi32, #tpu.memory_space<vmem>> -> memref<128xi32, #tpu.memory_space<vmem>>
    %dma_start3A_102 = tpu.memref_slice %arg2[%add3A_86] : memref<819264xi32, #tpu.memory_space<hbm>> -> memref<128xi32, #tpu.memory_space<hbm>>
    %dma_start3A_103 = arith.constant 0 : i32
    %dma_start3A_104 = tpu.memref_slice %arg5[%dma_start3A_97, %dma_start3A_98, %dma_start3A_103] : memref<2x2x128xi32, #tpu.memory_space<vmem>> -> memref<1x1x128xi32, #tpu.memory_space<vmem>>
    %dma_start3A_105 = tpu.memref_squeeze %dma_start3A_104 : memref<1x1x128xi32, #tpu.memory_space<vmem>> -> memref<128xi32, #tpu.memory_space<vmem>>
    %dma_start3A_106 = tpu.memref_slice %arg2[%add3A_86] : memref<819264xi32, #tpu.memory_space<hbm>> -> memref<128xi32, #tpu.memory_space<hbm>>
    tpu.enqueue_dma source(%dma_start3A_106 : memref<128xi32, #tpu.memory_space<hbm>>) target(%dma_start3A_105 : memref<128xi32, #tpu.memory_space<vmem>>) target_semaphore(%arg9 : memref<!tpu.dma_semaphore, #tpu.memory_space<semaphore_mem>>)
    %scan3A = arith.constant 0 : i32
    %scan3A_107 = arith.constant 5.000000e-03 : f32
    %scan3A_108 = arith.constant 0 : i32
    %scan3A_109 = arith.constant 64 : i32
    %scan3A_110 = arith.addi %scan3A_108, %scan3A_109 : i32
    %scan3A_111 = arith.constant 1 : i32
    scf.for %scan3A_113 = %scan3A_108 to %scan3A_110 step %scan3A_111  : i32 {
      %mul3A_114 = arith.constant 2 : i32
      %mul3A_115 = arith.muli %mul3A_114, %scan3A_113 : i32
      %add3A_116 = arith.constant 1 : i32
      %add3A_117 = arith.addi %mul3A_115, %add3A_116 : i32
      %add3A_118 = arith.addi %mul3A_2, %add3A_117 : i32
      %mul3A_119 = arith.constant 200 : i32
      %mul3A_120 = arith.muli %add3A_118, %mul3A_119 : i32
      %add3A_121 = arith.constant 88 : i32
      %add3A_122 = arith.addi %mul3A_120, %add3A_121 : i32
      %dma_wait3A_123 = arith.constant 1 : i32
      %dma_wait3A_124 = arith.constant 0 : i32
      %dma_wait3A_125 = arith.constant 0 : i32
      %dma_wait3A_126 = tpu.memref_slice %arg5[%dma_wait3A_123, %dma_wait3A_124, %dma_wait3A_125] : memref<2x2x128xi32, #tpu.memory_space<vmem>> -> memref<1x1x128xi32, #tpu.memory_space<vmem>>
      %dma_wait3A_127 = tpu.memref_squeeze %dma_wait3A_126 : memref<1x1x128xi32, #tpu.memory_space<vmem>> -> memref<128xi32, #tpu.memory_space<vmem>>
      %dma_wait3A_128 = tpu.memref_slice %arg2[%mul3A_120] : memref<819264xi32, #tpu.memory_space<hbm>> -> memref<128xi32, #tpu.memory_space<hbm>>
      %dma_wait3A_129 = arith.constant 0 : i32
      %dma_wait3A_130 = tpu.memref_slice %arg5[%dma_wait3A_123, %dma_wait3A_124, %dma_wait3A_129] : memref<2x2x128xi32, #tpu.memory_space<vmem>> -> memref<1x1x128xi32, #tpu.memory_space<vmem>>
      %dma_wait3A_131 = tpu.memref_squeeze %dma_wait3A_130 : memref<1x1x128xi32, #tpu.memory_space<vmem>> -> memref<128xi32, #tpu.memory_space<vmem>>
      %dma_wait3A_132 = tpu.memref_slice %arg2[%mul3A_120] : memref<819264xi32, #tpu.memory_space<hbm>> -> memref<128xi32, #tpu.memory_space<hbm>>
      tpu.wait_dma2 semaphore(%arg9 : memref<!tpu.dma_semaphore, #tpu.memory_space<semaphore_mem>>) src(%dma_wait3A_132 : memref<128xi32, #tpu.memory_space<hbm>>) dst(%dma_wait3A_131 : memref<128xi32, #tpu.memory_space<vmem>>)
      %dma_wait3A_133 = arith.constant 1 : i32
      %dma_wait3A_134 = arith.constant 1 : i32
      %dma_wait3A_135 = arith.constant 0 : i32
      %dma_wait3A_136 = tpu.memref_slice %arg5[%dma_wait3A_133, %dma_wait3A_134, %dma_wait3A_135] : memref<2x2x128xi32, #tpu.memory_space<vmem>> -> memref<1x1x128xi32, #tpu.memory_space<vmem>>
      %dma_wait3A_137 = tpu.memref_squeeze %dma_wait3A_136 : memref<1x1x128xi32, #tpu.memory_space<vmem>> -> memref<128xi32, #tpu.memory_space<vmem>>
      %dma_wait3A_138 = tpu.memref_slice %arg2[%add3A_122] : memref<819264xi32, #tpu.memory_space<hbm>> -> memref<128xi32, #tpu.memory_space<hbm>>
      %dma_wait3A_139 = arith.constant 0 : i32
      %dma_wait3A_140 = tpu.memref_slice %arg5[%dma_wait3A_133, %dma_wait3A_134, %dma_wait3A_139] : memref<2x2x128xi32, #tpu.memory_space<vmem>> -> memref<1x1x128xi32, #tpu.memory_space<vmem>>
      %dma_wait3A_141 = tpu.memref_squeeze %dma_wait3A_140 : memref<1x1x128xi32, #tpu.memory_space<vmem>> -> memref<128xi32, #tpu.memory_space<vmem>>
      %dma_wait3A_142 = tpu.memref_slice %arg2[%add3A_122] : memref<819264xi32, #tpu.memory_space<hbm>> -> memref<128xi32, #tpu.memory_space<hbm>>
      tpu.wait_dma2 semaphore(%arg9 : memref<!tpu.dma_semaphore, #tpu.memory_space<semaphore_mem>>) src(%dma_wait3A_142 : memref<128xi32, #tpu.memory_space<hbm>>) dst(%dma_wait3A_141 : memref<128xi32, #tpu.memory_space<vmem>>)
      %dma_start3A_143 = arith.constant 1 : i32
      %dma_start3A_144 = arith.constant 0 : i32
      %dma_start3A_145 = arith.constant 1 : i32
      %dma_start3A_146 = arith.constant 0 : i32
      %dma_start3A_147 = arith.constant 0 : i32
      %dma_start3A_148 = arith.constant 0 : i32
      %dma_start3A_149 = tpu.memref_slice %arg6[%dma_start3A_145, %dma_start3A_146, %dma_start3A_147, %dma_start3A_148] : memref<2x2x128x128xf32, #tpu.memory_space<vmem>> -> memref<1x1x128x128xf32, #tpu.memory_space<vmem>>
      %dma_start3A_150 = tpu.memref_squeeze %dma_start3A_149 : memref<1x1x128x128xf32, #tpu.memory_space<vmem>> -> memref<128x128xf32, #tpu.memory_space<vmem>>
      %dma_start3A_151 = arith.constant 0 : i32
      %dma_start3A_152 = tpu.memref_slice %arg5[%dma_start3A_143, %dma_start3A_144, %dma_start3A_151] : memref<2x2x128xi32, #tpu.memory_space<vmem>> -> memref<1x1x128xi32, #tpu.memory_space<vmem>>
      %dma_start3A_153 = tpu.memref_squeeze %dma_start3A_152 : memref<1x1x128xi32, #tpu.memory_space<vmem>> -> memref<128xi32, #tpu.memory_space<vmem>>
      %dma_start3A_154 = arith.constant 0 : i32
      %dma_start3A_155 = arith.constant 0 : i32
      %dma_start3A_156 = tpu.memref_slice %arg3[%dma_start3A_154, %dma_start3A_155] : memref<1000000x128xf32, #tpu.memory_space<hbm>> -> memref<1000000x128xf32, #tpu.memory_space<hbm>>
      tpu.enqueue_indirect_dma source(%dma_start3A_156 : memref<1000000x128xf32, #tpu.memory_space<hbm>>) target(%dma_start3A_150 : memref<128x128xf32, #tpu.memory_space<vmem>>) offsets(%dma_start3A_153 : memref<128xi32, #tpu.memory_space<vmem>>) semaphore(%arg11 : memref<!tpu.dma_semaphore, #tpu.memory_space<semaphore_mem>>)
      %dma_start3A_157 = arith.constant 1 : i32
      %dma_start3A_158 = arith.constant 1 : i32
      %dma_start3A_159 = arith.constant 1 : i32
      %dma_start3A_160 = arith.constant 1 : i32
      %dma_start3A_161 = arith.constant 0 : i32
      %dma_start3A_162 = arith.constant 0 : i32
      %dma_start3A_163 = tpu.memref_slice %arg6[%dma_start3A_159, %dma_start3A_160, %dma_start3A_161, %dma_start3A_162] : memref<2x2x128x128xf32, #tpu.memory_space<vmem>> -> memref<1x1x128x128xf32, #tpu.memory_space<vmem>>
      %dma_start3A_164 = tpu.memref_squeeze %dma_start3A_163 : memref<1x1x128x128xf32, #tpu.memory_space<vmem>> -> memref<128x128xf32, #tpu.memory_space<vmem>>
      %dma_start3A_165 = arith.constant 0 : i32
      %dma_start3A_166 = tpu.memref_slice %arg5[%dma_start3A_157, %dma_start3A_158, %dma_start3A_165] : memref<2x2x128xi32, #tpu.memory_space<vmem>> -> memref<1x1x128xi32, #tpu.memory_space<vmem>>
      %dma_start3A_167 = tpu.memref_squeeze %dma_start3A_166 : memref<1x1x128xi32, #tpu.memory_space<vmem>> -> memref<128xi32, #tpu.memory_space<vmem>>
      %dma_start3A_168 = arith.constant 0 : i32
      %dma_start3A_169 = arith.constant 0 : i32
      %dma_start3A_170 = tpu.memref_slice %arg3[%dma_start3A_168, %dma_start3A_169] : memref<1000000x128xf32, #tpu.memory_space<hbm>> -> memref<1000000x128xf32, #tpu.memory_space<hbm>>
      tpu.enqueue_indirect_dma source(%dma_start3A_170 : memref<1000000x128xf32, #tpu.memory_space<hbm>>) target(%dma_start3A_164 : memref<128x128xf32, #tpu.memory_space<vmem>>) offsets(%dma_start3A_167 : memref<128xi32, #tpu.memory_space<vmem>>) semaphore(%arg11 : memref<!tpu.dma_semaphore, #tpu.memory_space<semaphore_mem>>)
      %dma_wait3A_171 = arith.constant 0 : i32
      %dma_wait3A_172 = arith.constant 0 : i32
      %dma_wait3A_173 = arith.constant 0 : i32
      %dma_wait3A_174 = arith.constant 0 : i32
      %dma_wait3A_175 = arith.constant 0 : i32
      %dma_wait3A_176 = arith.constant 0 : i32
      %dma_wait3A_177 = tpu.memref_slice %arg6[%dma_wait3A_173, %dma_wait3A_174, %dma_wait3A_175, %dma_wait3A_176] : memref<2x2x128x128xf32, #tpu.memory_space<vmem>> -> memref<1x1x128x128xf32, #tpu.memory_space<vmem>>
      %dma_wait3A_178 = tpu.memref_squeeze %dma_wait3A_177 : memref<1x1x128x128xf32, #tpu.memory_space<vmem>> -> memref<128x128xf32, #tpu.memory_space<vmem>>
      %dma_wait3A_179 = arith.constant 0 : i32
      %dma_wait3A_180 = tpu.memref_slice %arg5[%dma_wait3A_171, %dma_wait3A_172, %dma_wait3A_179] : memref<2x2x128xi32, #tpu.memory_space<vmem>> -> memref<1x1x128xi32, #tpu.memory_space<vmem>>
      %dma_wait3A_181 = tpu.memref_squeeze %dma_wait3A_180 : memref<1x1x128xi32, #tpu.memory_space<vmem>> -> memref<128xi32, #tpu.memory_space<vmem>>
      %dma_wait3A_182 = arith.constant 0 : i32
      %dma_wait3A_183 = arith.constant 0 : i32
      %dma_wait3A_184 = tpu.memref_slice %arg3[%dma_wait3A_182, %dma_wait3A_183] : memref<1000000x128xf32, #tpu.memory_space<hbm>> -> memref<1000000x128xf32, #tpu.memory_space<hbm>>
      tpu.wait_indirect_dma semaphore(%arg10 : memref<!tpu.dma_semaphore, #tpu.memory_space<semaphore_mem>>) src(%dma_wait3A_184 : memref<1000000x128xf32, #tpu.memory_space<hbm>>) dst(%dma_wait3A_178 : memref<128x128xf32, #tpu.memory_space<vmem>>)
      %dma_wait3A_185 = arith.constant 0 : i32
      %dma_wait3A_186 = arith.constant 1 : i32
      %dma_wait3A_187 = arith.constant 0 : i32
      %dma_wait3A_188 = arith.constant 1 : i32
      %dma_wait3A_189 = arith.constant 0 : i32
      %dma_wait3A_190 = arith.constant 0 : i32
      %dma_wait3A_191 = tpu.memref_slice %arg6[%dma_wait3A_187, %dma_wait3A_188, %dma_wait3A_189, %dma_wait3A_190] : memref<2x2x128x128xf32, #tpu.memory_space<vmem>> -> memref<1x1x128x128xf32, #tpu.memory_space<vmem>>
      %dma_wait3A_192 = tpu.memref_squeeze %dma_wait3A_191 : memref<1x1x128x128xf32, #tpu.memory_space<vmem>> -> memref<128x128xf32, #tpu.memory_space<vmem>>
      %dma_wait3A_193 = arith.constant 0 : i32
      %dma_wait3A_194 = tpu.memref_slice %arg5[%dma_wait3A_185, %dma_wait3A_186, %dma_wait3A_193] : memref<2x2x128xi32, #tpu.memory_space<vmem>> -> memref<1x1x128xi32, #tpu.memory_space<vmem>>
      %dma_wait3A_195 = tpu.memref_squeeze %dma_wait3A_194 : memref<1x1x128xi32, #tpu.memory_space<vmem>> -> memref<128xi32, #tpu.memory_space<vmem>>
      %dma_wait3A_196 = arith.constant 0 : i32
      %dma_wait3A_197 = arith.constant 0 : i32
      %dma_wait3A_198 = tpu.memref_slice %arg3[%dma_wait3A_196, %dma_wait3A_197] : memref<1000000x128xf32, #tpu.memory_space<hbm>> -> memref<1000000x128xf32, #tpu.memory_space<hbm>>
      tpu.wait_indirect_dma semaphore(%arg10 : memref<!tpu.dma_semaphore, #tpu.memory_space<semaphore_mem>>) src(%dma_wait3A_198 : memref<1000000x128xf32, #tpu.memory_space<hbm>>) dst(%dma_wait3A_192 : memref<128x128xf32, #tpu.memory_space<vmem>>)
      %lt3A = arith.constant 63 : i32
      %lt3A_199 = arith.cmpi slt, %scan3A_113, %lt3A : i32
      %convert_element_type3A = arith.extui %lt3A_199 : i1 to i32
      %cond3A = arith.constant 0 : i32
      %cond3A_200 = arith.cmpi ne, %convert_element_type3A, %cond3A : i32
      scf.if %cond3A_200 {
        %add3A_387 = arith.constant 2 : i32
        %add3A_388 = arith.addi %mul3A_115, %add3A_387 : i32
        %add3A_389 = arith.addi %mul3A_2, %add3A_388 : i32
        %mul3A_390 = arith.constant 200 : i32
        %mul3A_391 = arith.muli %add3A_389, %mul3A_390 : i32
        %add3A_392 = arith.constant 88 : i32
        %add3A_393 = arith.addi %mul3A_391, %add3A_392 : i32
        %dma_start3A_394 = arith.constant 0 : i32
        %dma_start3A_395 = arith.constant 0 : i32
        %dma_start3A_396 = arith.constant 0 : i32
        %dma_start3A_397 = tpu.memref_slice %arg5[%dma_start3A_394, %dma_start3A_395, %dma_start3A_396] : memref<2x2x128xi32, #tpu.memory_space<vmem>> -> memref<1x1x128xi32, #tpu.memory_space<vmem>>
        %dma_start3A_398 = tpu.memref_squeeze %dma_start3A_397 : memref<1x1x128xi32, #tpu.memory_space<vmem>> -> memref<128xi32, #tpu.memory_space<vmem>>
        %dma_start3A_399 = tpu.memref_slice %arg2[%mul3A_391] : memref<819264xi32, #tpu.memory_space<hbm>> -> memref<128xi32, #tpu.memory_space<hbm>>
        %dma_start3A_400 = arith.constant 0 : i32
        %dma_start3A_401 = tpu.memref_slice %arg5[%dma_start3A_394, %dma_start3A_395, %dma_start3A_400] : memref<2x2x128xi32, #tpu.memory_space<vmem>> -> memref<1x1x128xi32, #tpu.memory_space<vmem>>
        %dma_start3A_402 = tpu.memref_squeeze %dma_start3A_401 : memref<1x1x128xi32, #tpu.memory_space<vmem>> -> memref<128xi32, #tpu.memory_space<vmem>>
        %dma_start3A_403 = tpu.memref_slice %arg2[%mul3A_391] : memref<819264xi32, #tpu.memory_space<hbm>> -> memref<128xi32, #tpu.memory_space<hbm>>
        tpu.enqueue_dma source(%dma_start3A_403 : memref<128xi32, #tpu.memory_space<hbm>>) target(%dma_start3A_402 : memref<128xi32, #tpu.memory_space<vmem>>) target_semaphore(%arg8 : memref<!tpu.dma_semaphore, #tpu.memory_space<semaphore_mem>>)
        %dma_start3A_404 = arith.constant 0 : i32
        %dma_start3A_405 = arith.constant 1 : i32
        %dma_start3A_406 = arith.constant 0 : i32
        %dma_start3A_407 = tpu.memref_slice %arg5[%dma_start3A_404, %dma_start3A_405, %dma_start3A_406] : memref<2x2x128xi32, #tpu.memory_space<vmem>> -> memref<1x1x128xi32, #tpu.memory_space<vmem>>
        %dma_start3A_408 = tpu.memref_squeeze %dma_start3A_407 : memref<1x1x128xi32, #tpu.memory_space<vmem>> -> memref<128xi32, #tpu.memory_space<vmem>>
        %dma_start3A_409 = tpu.memref_slice %arg2[%add3A_393] : memref<819264xi32, #tpu.memory_space<hbm>> -> memref<128xi32, #tpu.memory_space<hbm>>
        %dma_start3A_410 = arith.constant 0 : i32
        %dma_start3A_411 = tpu.memref_slice %arg5[%dma_start3A_404, %dma_start3A_405, %dma_start3A_410] : memref<2x2x128xi32, #tpu.memory_space<vmem>> -> memref<1x1x128xi32, #tpu.memory_space<vmem>>
        %dma_start3A_412 = tpu.memref_squeeze %dma_start3A_411 : memref<1x1x128xi32, #tpu.memory_space<vmem>> -> memref<128xi32, #tpu.memory_space<vmem>>
        %dma_start3A_413 = tpu.memref_slice %arg2[%add3A_393] : memref<819264xi32, #tpu.memory_space<hbm>> -> memref<128xi32, #tpu.memory_space<hbm>>
        tpu.enqueue_dma source(%dma_start3A_413 : memref<128xi32, #tpu.memory_space<hbm>>) target(%dma_start3A_412 : memref<128xi32, #tpu.memory_space<vmem>>) target_semaphore(%arg8 : memref<!tpu.dma_semaphore, #tpu.memory_space<semaphore_mem>>)
      } else {
      }
      %broadcast_in_dim3A = arith.constant 0.000000e+00 : f32
      %broadcast_in_dim3A_201 = vector.broadcast %broadcast_in_dim3A : f32 to vector<16xf32>
      %broadcast_in_dim3A_202 = arith.constant 0.000000e+00 : f32
      %broadcast_in_dim3A_203 = vector.broadcast %broadcast_in_dim3A_202 : f32 to vector<16xf32>
      %broadcast_in_dim3A_204 = arith.constant 0.000000e+00 : f32
      %broadcast_in_dim3A_205 = vector.broadcast %broadcast_in_dim3A_204 : f32 to vector<16xf32>
      %broadcast_in_dim3A_206 = arith.constant 0.000000e+00 : f32
      %broadcast_in_dim3A_207 = vector.broadcast %broadcast_in_dim3A_206 : f32 to vector<16xf32>
      %broadcast_in_dim3A_208 = arith.constant 0.000000e+00 : f32
      %broadcast_in_dim3A_209 = vector.broadcast %broadcast_in_dim3A_208 : f32 to vector<16xf32>
      %broadcast_in_dim3A_210 = arith.constant 0.000000e+00 : f32
      %broadcast_in_dim3A_211 = vector.broadcast %broadcast_in_dim3A_210 : f32 to vector<16xf32>
      %broadcast_in_dim3A_212 = arith.constant 0.000000e+00 : f32
      %broadcast_in_dim3A_213 = vector.broadcast %broadcast_in_dim3A_212 : f32 to vector<16xf32>
      %scan3A_214 = arith.constant 0 : i32
      %scan3A_215 = arith.constant 112 : i32
      %scan3A_216 = arith.addi %scan3A_214, %scan3A_215 : i32
      %scan3A_217 = arith.constant 1 : i32
      %scan3A_218:7 = scf.for %scan3A_387 = %scan3A_214 to %scan3A_216 step %scan3A_217 iter_args(%scan3A_388 = %broadcast_in_dim3A_201, %scan3A_389 = %broadcast_in_dim3A_203, %scan3A_390 = %broadcast_in_dim3A_205, %scan3A_391 = %broadcast_in_dim3A_207, %scan3A_392 = %broadcast_in_dim3A_209, %scan3A_393 = %broadcast_in_dim3A_211, %scan3A_394 = %broadcast_in_dim3A_213) -> (vector<16xf32>, vector<16xf32>, vector<16xf32>, vector<16xf32>, vector<16xf32>, vector<16xf32>, vector<16xf32>)  : i32 {
        %get3A = arith.constant 0 : i32
        %get3A_395 = arith.constant 0 : i32
        %get3A_396 = arith.index_cast %get3A : i32 to index
        %get3A_397 = arith.index_cast %get3A_395 : i32 to index
        %get3A_398 = arith.index_cast %scan3A_387 : i32 to index
        %get3A_399 = arith.constant 0 : index
        %get3A_400 = tpu.vector_load %arg6[%get3A_396, %get3A_397, %get3A_398, %get3A_399] {strides = array<i32>} : memref<2x2x128x128xf32, #tpu.memory_space<vmem>>, vector<1x1x1x16xf32>,
        %get3A_401 = vector.shape_cast %get3A_400 : vector<1x1x1x16xf32> to vector<16xf32>
        %add3A_402 = arith.addf %scan3A_388, %get3A_401 : vector<16xf32>
        %get3A_403 = arith.constant 0 : i32
        %get3A_404 = arith.constant 0 : i32
        %get3A_405 = arith.index_cast %get3A_403 : i32 to index
        %get3A_406 = arith.index_cast %get3A_404 : i32 to index
        %get3A_407 = arith.index_cast %scan3A_387 : i32 to index
        %get3A_408 = arith.constant 16 : index
        %get3A_409 = tpu.vector_load %arg6[%get3A_405, %get3A_406, %get3A_407, %get3A_408] {strides = array<i32>} : memref<2x2x128x128xf32, #tpu.memory_space<vmem>>, vector<1x1x1x16xf32>,
        %get3A_410 = vector.shape_cast %get3A_409 : vector<1x1x1x16xf32> to vector<16xf32>
        %add3A_411 = arith.addf %scan3A_389, %get3A_410 : vector<16xf32>
        %get3A_412 = arith.constant 0 : i32
        %get3A_413 = arith.constant 0 : i32
        %get3A_414 = arith.index_cast %get3A_412 : i32 to index
        %get3A_415 = arith.index_cast %get3A_413 : i32 to index
        %get3A_416 = arith.index_cast %scan3A_387 : i32 to index
        %get3A_417 = arith.constant 32 : index
        %get3A_418 = tpu.vector_load %arg6[%get3A_414, %get3A_415, %get3A_416, %get3A_417] {strides = array<i32>} : memref<2x2x128x128xf32, #tpu.memory_space<vmem>>, vector<1x1x1x16xf32>,
        %get3A_419 = vector.shape_cast %get3A_418 : vector<1x1x1x16xf32> to vector<16xf32>
        %add3A_420 = arith.addf %scan3A_390, %get3A_419 : vector<16xf32>
        %get3A_421 = arith.constant 0 : i32
        %get3A_422 = arith.constant 0 : i32
        %get3A_423 = arith.index_cast %get3A_421 : i32 to index
        %get3A_424 = arith.index_cast %get3A_422 : i32 to index
        %get3A_425 = arith.index_cast %scan3A_387 : i32 to index
        %get3A_426 = arith.constant 48 : index
        %get3A_427 = tpu.vector_load %arg6[%get3A_423, %get3A_424, %get3A_425, %get3A_426] {strides = array<i32>} : memref<2x2x128x128xf32, #tpu.memory_space<vmem>>, vector<1x1x1x16xf32>,
        %get3A_428 = vector.shape_cast %get3A_427 : vector<1x1x1x16xf32> to vector<16xf32>
        %add3A_429 = arith.addf %scan3A_391, %get3A_428 : vector<16xf32>
        %get3A_430 = arith.constant 0 : i32
        %get3A_431 = arith.constant 0 : i32
        %get3A_432 = arith.index_cast %get3A_430 : i32 to index
        %get3A_433 = arith.index_cast %get3A_431 : i32 to index
        %get3A_434 = arith.index_cast %scan3A_387 : i32 to index
        %get3A_435 = arith.constant 64 : index
        %get3A_436 = tpu.vector_load %arg6[%get3A_432, %get3A_433, %get3A_434, %get3A_435] {strides = array<i32>} : memref<2x2x128x128xf32, #tpu.memory_space<vmem>>, vector<1x1x1x16xf32>,
        %get3A_437 = vector.shape_cast %get3A_436 : vector<1x1x1x16xf32> to vector<16xf32>
        %add3A_438 = arith.addf %scan3A_392, %get3A_437 : vector<16xf32>
        %get3A_439 = arith.constant 0 : i32
        %get3A_440 = arith.constant 0 : i32
        %get3A_441 = arith.index_cast %get3A_439 : i32 to index
        %get3A_442 = arith.index_cast %get3A_440 : i32 to index
        %get3A_443 = arith.index_cast %scan3A_387 : i32 to index
        %get3A_444 = arith.constant 80 : index
        %get3A_445 = tpu.vector_load %arg6[%get3A_441, %get3A_442, %get3A_443, %get3A_444] {strides = array<i32>} : memref<2x2x128x128xf32, #tpu.memory_space<vmem>>, vector<1x1x1x16xf32>,
        %get3A_446 = vector.shape_cast %get3A_445 : vector<1x1x1x16xf32> to vector<16xf32>
        %add3A_447 = arith.addf %scan3A_393, %get3A_446 : vector<16xf32>
        %get3A_448 = arith.constant 0 : i32
        %get3A_449 = arith.constant 0 : i32
        %get3A_450 = arith.index_cast %get3A_448 : i32 to index
        %get3A_451 = arith.index_cast %get3A_449 : i32 to index
        %get3A_452 = arith.index_cast %scan3A_387 : i32 to index
        %get3A_453 = arith.constant 84 : index
        %get3A_454 = tpu.vector_load %arg6[%get3A_450, %get3A_451, %get3A_452, %get3A_453] {strides = array<i32>} : memref<2x2x128x128xf32, #tpu.memory_space<vmem>>, vector<1x1x1x16xf32>,
        %get3A_455 = vector.shape_cast %get3A_454 : vector<1x1x1x16xf32> to vector<16xf32>
        %add3A_456 = arith.addf %scan3A_394, %get3A_455 : vector<16xf32>
        scf.yield %add3A_402, %add3A_411, %add3A_420, %add3A_429, %add3A_438, %add3A_447, %add3A_456 : vector<16xf32>, vector<16xf32>, vector<16xf32>, vector<16xf32>, vector<16xf32>, vector<16xf32>, vector<16xf32>
      }
      %scan3A_219 = arith.constant 112 : i32
      %scan3A_220 = arith.constant 24 : i32
      %scan3A_221 = arith.constant 88 : i32
      %scan3A_222 = arith.addi %scan3A_220, %scan3A_221 : i32
      %scan3A_223 = arith.constant 1 : i32
      %scan3A_224:7 = scf.for %scan3A_387 = %scan3A_220 to %scan3A_222 step %scan3A_223 iter_args(%scan3A_388 = %scan3A_218#0, %scan3A_389 = %scan3A_218#1, %scan3A_390 = %scan3A_218#2, %scan3A_391 = %scan3A_218#3, %scan3A_392 = %scan3A_218#4, %scan3A_393 = %scan3A_218#5, %scan3A_394 = %scan3A_218#6) -> (vector<16xf32>, vector<16xf32>, vector<16xf32>, vector<16xf32>, vector<16xf32>, vector<16xf32>, vector<16xf32>)  : i32 {
        %get3A = arith.constant 0 : i32
        %get3A_395 = arith.constant 1 : i32
        %get3A_396 = arith.index_cast %get3A : i32 to index
        %get3A_397 = arith.index_cast %get3A_395 : i32 to index
        %get3A_398 = arith.index_cast %scan3A_387 : i32 to index
        %get3A_399 = arith.constant 0 : index
        %get3A_400 = tpu.vector_load %arg6[%get3A_396, %get3A_397, %get3A_398, %get3A_399] {strides = array<i32>} : memref<2x2x128x128xf32, #tpu.memory_space<vmem>>, vector<1x1x1x16xf32>,
        %get3A_401 = vector.shape_cast %get3A_400 : vector<1x1x1x16xf32> to vector<16xf32>
        %add3A_402 = arith.addf %scan3A_388, %get3A_401 : vector<16xf32>
        %get3A_403 = arith.constant 0 : i32
        %get3A_404 = arith.constant 1 : i32
        %get3A_405 = arith.index_cast %get3A_403 : i32 to index
        %get3A_406 = arith.index_cast %get3A_404 : i32 to index
        %get3A_407 = arith.index_cast %scan3A_387 : i32 to index
        %get3A_408 = arith.constant 16 : index
        %get3A_409 = tpu.vector_load %arg6[%get3A_405, %get3A_406, %get3A_407, %get3A_408] {strides = array<i32>} : memref<2x2x128x128xf32, #tpu.memory_space<vmem>>, vector<1x1x1x16xf32>,
        %get3A_410 = vector.shape_cast %get3A_409 : vector<1x1x1x16xf32> to vector<16xf32>
        %add3A_411 = arith.addf %scan3A_389, %get3A_410 : vector<16xf32>
        %get3A_412 = arith.constant 0 : i32
        %get3A_413 = arith.constant 1 : i32
        %get3A_414 = arith.index_cast %get3A_412 : i32 to index
        %get3A_415 = arith.index_cast %get3A_413 : i32 to index
        %get3A_416 = arith.index_cast %scan3A_387 : i32 to index
        %get3A_417 = arith.constant 32 : index
        %get3A_418 = tpu.vector_load %arg6[%get3A_414, %get3A_415, %get3A_416, %get3A_417] {strides = array<i32>} : memref<2x2x128x128xf32, #tpu.memory_space<vmem>>, vector<1x1x1x16xf32>,
        %get3A_419 = vector.shape_cast %get3A_418 : vector<1x1x1x16xf32> to vector<16xf32>
        %add3A_420 = arith.addf %scan3A_390, %get3A_419 : vector<16xf32>
        %get3A_421 = arith.constant 0 : i32
        %get3A_422 = arith.constant 1 : i32
        %get3A_423 = arith.index_cast %get3A_421 : i32 to index
        %get3A_424 = arith.index_cast %get3A_422 : i32 to index
        %get3A_425 = arith.index_cast %scan3A_387 : i32 to index
        %get3A_426 = arith.constant 48 : index
        %get3A_427 = tpu.vector_load %arg6[%get3A_423, %get3A_424, %get3A_425, %get3A_426] {strides = array<i32>} : memref<2x2x128x128xf32, #tpu.memory_space<vmem>>, vector<1x1x1x16xf32>,
        %get3A_428 = vector.shape_cast %get3A_427 : vector<1x1x1x16xf32> to vector<16xf32>
        %add3A_429 = arith.addf %scan3A_391, %get3A_428 : vector<16xf32>
        %get3A_430 = arith.constant 0 : i32
        %get3A_431 = arith.constant 1 : i32
        %get3A_432 = arith.index_cast %get3A_430 : i32 to index
        %get3A_433 = arith.index_cast %get3A_431 : i32 to index
        %get3A_434 = arith.index_cast %scan3A_387 : i32 to index
        %get3A_435 = arith.constant 64 : index
        %get3A_436 = tpu.vector_load %arg6[%get3A_432, %get3A_433, %get3A_434, %get3A_435] {strides = array<i32>} : memref<2x2x128x128xf32, #tpu.memory_space<vmem>>, vector<1x1x1x16xf32>,
        %get3A_437 = vector.shape_cast %get3A_436 : vector<1x1x1x16xf32> to vector<16xf32>
        %add3A_438 = arith.addf %scan3A_392, %get3A_437 : vector<16xf32>
        %get3A_439 = arith.constant 0 : i32
        %get3A_440 = arith.constant 1 : i32
        %get3A_441 = arith.index_cast %get3A_439 : i32 to index
        %get3A_442 = arith.index_cast %get3A_440 : i32 to index
        %get3A_443 = arith.index_cast %scan3A_387 : i32 to index
        %get3A_444 = arith.constant 80 : index
        %get3A_445 = tpu.vector_load %arg6[%get3A_441, %get3A_442, %get3A_443, %get3A_444] {strides = array<i32>} : memref<2x2x128x128xf32, #tpu.memory_space<vmem>>, vector<1x1x1x16xf32>,
        %get3A_446 = vector.shape_cast %get3A_445 : vector<1x1x1x16xf32> to vector<16xf32>
        %add3A_447 = arith.addf %scan3A_393, %get3A_446 : vector<16xf32>
        %get3A_448 = arith.constant 0 : i32
        %get3A_449 = arith.constant 1 : i32
        %get3A_450 = arith.index_cast %get3A_448 : i32 to index
        %get3A_451 = arith.index_cast %get3A_449 : i32 to index
        %get3A_452 = arith.index_cast %scan3A_387 : i32 to index
        %get3A_453 = arith.constant 84 : index
        %get3A_454 = tpu.vector_load %arg6[%get3A_450, %get3A_451, %get3A_452, %get3A_453] {strides = array<i32>} : memref<2x2x128x128xf32, #tpu.memory_space<vmem>>, vector<1x1x1x16xf32>,
        %get3A_455 = vector.shape_cast %get3A_454 : vector<1x1x1x16xf32> to vector<16xf32>
        %add3A_456 = arith.addf %scan3A_394, %get3A_455 : vector<16xf32>
        scf.yield %add3A_402, %add3A_411, %add3A_420, %add3A_429, %add3A_438, %add3A_447, %add3A_456 : vector<16xf32>, vector<16xf32>, vector<16xf32>, vector<16xf32>, vector<16xf32>, vector<16xf32>, vector<16xf32>
      }
      %scan3A_225 = arith.constant 88 : i32
      %mul3A_226 = vector.broadcast %scan3A_107 : f32 to vector<16xf32>
      %mul3A_227 = arith.mulf %scan3A_224#0, %mul3A_226 : vector<16xf32>
      %swap3A = arith.index_cast %mul3A_115 : i32 to index
      %swap3A_228 = arith.constant 0 : index
      %swap3A_229 = tpu.vector_load %arg7[%swap3A, %swap3A_228] {strides = array<i32>} : memref<128x100xf32, #tpu.memory_space<vmem>>, vector<1x16xf32>,
      %swap3A_230 = vector.shape_cast %swap3A_229 : vector<1x16xf32> to vector<16xf32>
      %swap3A_231 = vector.shape_cast %mul3A_227 : vector<16xf32> to vector<1x16xf32>
      tpu.vector_store %arg7[%swap3A, %swap3A_228], %swap3A_231 {strides = array<i32>} : memref<128x100xf32, #tpu.memory_space<vmem>>, vector<1x16xf32>,
      %mul3A_232 = vector.broadcast %scan3A_107 : f32 to vector<16xf32>
      %mul3A_233 = arith.mulf %scan3A_224#1, %mul3A_232 : vector<16xf32>
      %swap3A_234 = arith.index_cast %mul3A_115 : i32 to index
      %swap3A_235 = arith.constant 16 : index
      %swap3A_236 = tpu.vector_load %arg7[%swap3A_234, %swap3A_235] {strides = array<i32>} : memref<128x100xf32, #tpu.memory_space<vmem>>, vector<1x16xf32>,
      %swap3A_237 = vector.shape_cast %swap3A_236 : vector<1x16xf32> to vector<16xf32>
      %swap3A_238 = vector.shape_cast %mul3A_233 : vector<16xf32> to vector<1x16xf32>
      tpu.vector_store %arg7[%swap3A_234, %swap3A_235], %swap3A_238 {strides = array<i32>} : memref<128x100xf32, #tpu.memory_space<vmem>>, vector<1x16xf32>,
      %mul3A_239 = vector.broadcast %scan3A_107 : f32 to vector<16xf32>
      %mul3A_240 = arith.mulf %scan3A_224#2, %mul3A_239 : vector<16xf32>
      %swap3A_241 = arith.index_cast %mul3A_115 : i32 to index
      %swap3A_242 = arith.constant 32 : index
      %swap3A_243 = tpu.vector_load %arg7[%swap3A_241, %swap3A_242] {strides = array<i32>} : memref<128x100xf32, #tpu.memory_space<vmem>>, vector<1x16xf32>,
      %swap3A_244 = vector.shape_cast %swap3A_243 : vector<1x16xf32> to vector<16xf32>
      %swap3A_245 = vector.shape_cast %mul3A_240 : vector<16xf32> to vector<1x16xf32>
      tpu.vector_store %arg7[%swap3A_241, %swap3A_242], %swap3A_245 {strides = array<i32>} : memref<128x100xf32, #tpu.memory_space<vmem>>, vector<1x16xf32>,
      %mul3A_246 = vector.broadcast %scan3A_107 : f32 to vector<16xf32>
      %mul3A_247 = arith.mulf %scan3A_224#3, %mul3A_246 : vector<16xf32>
      %swap3A_248 = arith.index_cast %mul3A_115 : i32 to index
      %swap3A_249 = arith.constant 48 : index
      %swap3A_250 = tpu.vector_load %arg7[%swap3A_248, %swap3A_249] {strides = array<i32>} : memref<128x100xf32, #tpu.memory_space<vmem>>, vector<1x16xf32>,
      %swap3A_251 = vector.shape_cast %swap3A_250 : vector<1x16xf32> to vector<16xf32>
      %swap3A_252 = vector.shape_cast %mul3A_247 : vector<16xf32> to vector<1x16xf32>
      tpu.vector_store %arg7[%swap3A_248, %swap3A_249], %swap3A_252 {strides = array<i32>} : memref<128x100xf32, #tpu.memory_space<vmem>>, vector<1x16xf32>,
      %mul3A_253 = vector.broadcast %scan3A_107 : f32 to vector<16xf32>
      %mul3A_254 = arith.mulf %scan3A_224#4, %mul3A_253 : vector<16xf32>
      %swap3A_255 = arith.index_cast %mul3A_115 : i32 to index
      %swap3A_256 = arith.constant 64 : index
      %swap3A_257 = tpu.vector_load %arg7[%swap3A_255, %swap3A_256] {strides = array<i32>} : memref<128x100xf32, #tpu.memory_space<vmem>>, vector<1x16xf32>,
      %swap3A_258 = vector.shape_cast %swap3A_257 : vector<1x16xf32> to vector<16xf32>
      %swap3A_259 = vector.shape_cast %mul3A_254 : vector<16xf32> to vector<1x16xf32>
      tpu.vector_store %arg7[%swap3A_255, %swap3A_256], %swap3A_259 {strides = array<i32>} : memref<128x100xf32, #tpu.memory_space<vmem>>, vector<1x16xf32>,
      %mul3A_260 = vector.broadcast %scan3A_107 : f32 to vector<16xf32>
      %mul3A_261 = arith.mulf %scan3A_224#5, %mul3A_260 : vector<16xf32>
      %swap3A_262 = arith.index_cast %mul3A_115 : i32 to index
      %swap3A_263 = arith.constant 80 : index
      %swap3A_264 = tpu.vector_load %arg7[%swap3A_262, %swap3A_263] {strides = array<i32>} : memref<128x100xf32, #tpu.memory_space<vmem>>, vector<1x16xf32>,
      %swap3A_265 = vector.shape_cast %swap3A_264 : vector<1x16xf32> to vector<16xf32>
      %swap3A_266 = vector.shape_cast %mul3A_261 : vector<16xf32> to vector<1x16xf32>
      tpu.vector_store %arg7[%swap3A_262, %swap3A_263], %swap3A_266 {strides = array<i32>} : memref<128x100xf32, #tpu.memory_space<vmem>>, vector<1x16xf32>,
      %mul3A_267 = vector.broadcast %scan3A_107 : f32 to vector<16xf32>
      %mul3A_268 = arith.mulf %scan3A_224#6, %mul3A_267 : vector<16xf32>
      %swap3A_269 = arith.index_cast %mul3A_115 : i32 to index
      %swap3A_270 = arith.constant 84 : index
      %swap3A_271 = tpu.vector_load %arg7[%swap3A_269, %swap3A_270] {strides = array<i32>} : memref<128x100xf32, #tpu.memory_space<vmem>>, vector<1x16xf32>,
      %swap3A_272 = vector.shape_cast %swap3A_271 : vector<1x16xf32> to vector<16xf32>
      %swap3A_273 = vector.shape_cast %mul3A_268 : vector<16xf32> to vector<1x16xf32>
      tpu.vector_store %arg7[%swap3A_269, %swap3A_270], %swap3A_273 {strides = array<i32>} : memref<128x100xf32, #tpu.memory_space<vmem>>, vector<1x16xf32>,
      %lt3A_274 = arith.constant 63 : i32
      %lt3A_275 = arith.cmpi slt, %scan3A_113, %lt3A_274 : i32
      %convert_element_type3A_276 = arith.extui %lt3A_275 : i1 to i32
      %cond3A_277 = arith.constant 0 : i32
      %cond3A_278 = arith.cmpi ne, %convert_element_type3A_276, %cond3A_277 : i32
      scf.if %cond3A_278 {
        %add3A_387 = arith.constant 2 : i32
        %add3A_388 = arith.addi %mul3A_115, %add3A_387 : i32
        %add3A_389 = arith.addi %mul3A_2, %add3A_388 : i32
        %mul3A_390 = arith.constant 200 : i32
        %mul3A_391 = arith.muli %add3A_389, %mul3A_390 : i32
        %add3A_392 = arith.constant 88 : i32
        %add3A_393 = arith.addi %mul3A_391, %add3A_392 : i32
        %dma_wait3A_394 = arith.constant 0 : i32
        %dma_wait3A_395 = arith.constant 0 : i32
        %dma_wait3A_396 = arith.constant 0 : i32
        %dma_wait3A_397 = tpu.memref_slice %arg5[%dma_wait3A_394, %dma_wait3A_395, %dma_wait3A_396] : memref<2x2x128xi32, #tpu.memory_space<vmem>> -> memref<1x1x128xi32, #tpu.memory_space<vmem>>
        %dma_wait3A_398 = tpu.memref_squeeze %dma_wait3A_397 : memref<1x1x128xi32, #tpu.memory_space<vmem>> -> memref<128xi32, #tpu.memory_space<vmem>>
        %dma_wait3A_399 = tpu.memref_slice %arg2[%mul3A_391] : memref<819264xi32, #tpu.memory_space<hbm>> -> memref<128xi32, #tpu.memory_space<hbm>>
        %dma_wait3A_400 = arith.constant 0 : i32
        %dma_wait3A_401 = tpu.memref_slice %arg5[%dma_wait3A_394, %dma_wait3A_395, %dma_wait3A_400] : memref<2x2x128xi32, #tpu.memory_space<vmem>> -> memref<1x1x128xi32, #tpu.memory_space<vmem>>
        %dma_wait3A_402 = tpu.memref_squeeze %dma_wait3A_401 : memref<1x1x128xi32, #tpu.memory_space<vmem>> -> memref<128xi32, #tpu.memory_space<vmem>>
        %dma_wait3A_403 = tpu.memref_slice %arg2[%mul3A_391] : memref<819264xi32, #tpu.memory_space<hbm>> -> memref<128xi32, #tpu.memory_space<hbm>>
        tpu.wait_dma2 semaphore(%arg8 : memref<!tpu.dma_semaphore, #tpu.memory_space<semaphore_mem>>) src(%dma_wait3A_403 : memref<128xi32, #tpu.memory_space<hbm>>) dst(%dma_wait3A_402 : memref<128xi32, #tpu.memory_space<vmem>>)
        %dma_wait3A_404 = arith.constant 0 : i32
        %dma_wait3A_405 = arith.constant 1 : i32
        %dma_wait3A_406 = arith.constant 0 : i32
        %dma_wait3A_407 = tpu.memref_slice %arg5[%dma_wait3A_404, %dma_wait3A_405, %dma_wait3A_406] : memref<2x2x128xi32, #tpu.memory_space<vmem>> -> memref<1x1x128xi32, #tpu.memory_space<vmem>>
        %dma_wait3A_408 = tpu.memref_squeeze %dma_wait3A_407 : memref<1x1x128xi32, #tpu.memory_space<vmem>> -> memref<128xi32, #tpu.memory_space<vmem>>
        %dma_wait3A_409 = tpu.memref_slice %arg2[%add3A_393] : memref<819264xi32, #tpu.memory_space<hbm>> -> memref<128xi32, #tpu.memory_space<hbm>>
        %dma_wait3A_410 = arith.constant 0 : i32
        %dma_wait3A_411 = tpu.memref_slice %arg5[%dma_wait3A_404, %dma_wait3A_405, %dma_wait3A_410] : memref<2x2x128xi32, #tpu.memory_space<vmem>> -> memref<1x1x128xi32, #tpu.memory_space<vmem>>
        %dma_wait3A_412 = tpu.memref_squeeze %dma_wait3A_411 : memref<1x1x128xi32, #tpu.memory_space<vmem>> -> memref<128xi32, #tpu.memory_space<vmem>>
        %dma_wait3A_413 = tpu.memref_slice %arg2[%add3A_393] : memref<819264xi32, #tpu.memory_space<hbm>> -> memref<128xi32, #tpu.memory_space<hbm>>
        tpu.wait_dma2 semaphore(%arg8 : memref<!tpu.dma_semaphore, #tpu.memory_space<semaphore_mem>>) src(%dma_wait3A_413 : memref<128xi32, #tpu.memory_space<hbm>>) dst(%dma_wait3A_412 : memref<128xi32, #tpu.memory_space<vmem>>)
        %dma_start3A_414 = arith.constant 0 : i32
        %dma_start3A_415 = arith.constant 0 : i32
        %dma_start3A_416 = arith.constant 0 : i32
        %dma_start3A_417 = arith.constant 0 : i32
        %dma_start3A_418 = arith.constant 0 : i32
        %dma_start3A_419 = arith.constant 0 : i32
        %dma_start3A_420 = tpu.memref_slice %arg6[%dma_start3A_416, %dma_start3A_417, %dma_start3A_418, %dma_start3A_419] : memref<2x2x128x128xf32, #tpu.memory_space<vmem>> -> memref<1x1x128x128xf32, #tpu.memory_space<vmem>>
        %dma_start3A_421 = tpu.memref_squeeze %dma_start3A_420 : memref<1x1x128x128xf32, #tpu.memory_space<vmem>> -> memref<128x128xf32, #tpu.memory_space<vmem>>
        %dma_start3A_422 = arith.constant 0 : i32
        %dma_start3A_423 = tpu.memref_slice %arg5[%dma_start3A_414, %dma_start3A_415, %dma_start3A_422] : memref<2x2x128xi32, #tpu.memory_space<vmem>> -> memref<1x1x128xi32, #tpu.memory_space<vmem>>
        %dma_start3A_424 = tpu.memref_squeeze %dma_start3A_423 : memref<1x1x128xi32, #tpu.memory_space<vmem>> -> memref<128xi32, #tpu.memory_space<vmem>>
        %dma_start3A_425 = arith.constant 0 : i32
        %dma_start3A_426 = arith.constant 0 : i32
        %dma_start3A_427 = tpu.memref_slice %arg3[%dma_start3A_425, %dma_start3A_426] : memref<1000000x128xf32, #tpu.memory_space<hbm>> -> memref<1000000x128xf32, #tpu.memory_space<hbm>>
        tpu.enqueue_indirect_dma source(%dma_start3A_427 : memref<1000000x128xf32, #tpu.memory_space<hbm>>) target(%dma_start3A_421 : memref<128x128xf32, #tpu.memory_space<vmem>>) offsets(%dma_start3A_424 : memref<128xi32, #tpu.memory_space<vmem>>) semaphore(%arg10 : memref<!tpu.dma_semaphore, #tpu.memory_space<semaphore_mem>>)
        %dma_start3A_428 = arith.constant 0 : i32
        %dma_start3A_429 = arith.constant 1 : i32
        %dma_start3A_430 = arith.constant 0 : i32
        %dma_start3A_431 = arith.constant 1 : i32
        %dma_start3A_432 = arith.constant 0 : i32
        %dma_start3A_433 = arith.constant 0 : i32
        %dma_start3A_434 = tpu.memref_slice %arg6[%dma_start3A_430, %dma_start3A_431, %dma_start3A_432, %dma_start3A_433] : memref<2x2x128x128xf32, #tpu.memory_space<vmem>> -> memref<1x1x128x128xf32, #tpu.memory_space<vmem>>
        %dma_start3A_435 = tpu.memref_squeeze %dma_start3A_434 : memref<1x1x128x128xf32, #tpu.memory_space<vmem>> -> memref<128x128xf32, #tpu.memory_space<vmem>>
        %dma_start3A_436 = arith.constant 0 : i32
        %dma_start3A_437 = tpu.memref_slice %arg5[%dma_start3A_428, %dma_start3A_429, %dma_start3A_436] : memref<2x2x128xi32, #tpu.memory_space<vmem>> -> memref<1x1x128xi32, #tpu.memory_space<vmem>>
        %dma_start3A_438 = tpu.memref_squeeze %dma_start3A_437 : memref<1x1x128xi32, #tpu.memory_space<vmem>> -> memref<128xi32, #tpu.memory_space<vmem>>
        %dma_start3A_439 = arith.constant 0 : i32
        %dma_start3A_440 = arith.constant 0 : i32
        %dma_start3A_441 = tpu.memref_slice %arg3[%dma_start3A_439, %dma_start3A_440] : memref<1000000x128xf32, #tpu.memory_space<hbm>> -> memref<1000000x128xf32, #tpu.memory_space<hbm>>
        tpu.enqueue_indirect_dma source(%dma_start3A_441 : memref<1000000x128xf32, #tpu.memory_space<hbm>>) target(%dma_start3A_435 : memref<128x128xf32, #tpu.memory_space<vmem>>) offsets(%dma_start3A_438 : memref<128xi32, #tpu.memory_space<vmem>>) semaphore(%arg10 : memref<!tpu.dma_semaphore, #tpu.memory_space<semaphore_mem>>)
      } else {
      }
      %dma_wait3A_279 = arith.constant 1 : i32
      %dma_wait3A_280 = arith.constant 0 : i32
      %dma_wait3A_281 = arith.constant 1 : i32
      %dma_wait3A_282 = arith.constant 0 : i32
      %dma_wait3A_283 = arith.constant 0 : i32
      %dma_wait3A_284 = arith.constant 0 : i32
      %dma_wait3A_285 = tpu.memref_slice %arg6[%dma_wait3A_281, %dma_wait3A_282, %dma_wait3A_283, %dma_wait3A_284] : memref<2x2x128x128xf32, #tpu.memory_space<vmem>> -> memref<1x1x128x128xf32, #tpu.memory_space<vmem>>
      %dma_wait3A_286 = tpu.memref_squeeze %dma_wait3A_285 : memref<1x1x128x128xf32, #tpu.memory_space<vmem>> -> memref<128x128xf32, #tpu.memory_space<vmem>>
      %dma_wait3A_287 = arith.constant 0 : i32
      %dma_wait3A_288 = tpu.memref_slice %arg5[%dma_wait3A_279, %dma_wait3A_280, %dma_wait3A_287] : memref<2x2x128xi32, #tpu.memory_space<vmem>> -> memref<1x1x128xi32, #tpu.memory_space<vmem>>
      %dma_wait3A_289 = tpu.memref_squeeze %dma_wait3A_288 : memref<1x1x128xi32, #tpu.memory_space<vmem>> -> memref<128xi32, #tpu.memory_space<vmem>>
      %dma_wait3A_290 = arith.constant 0 : i32
      %dma_wait3A_291 = arith.constant 0 : i32
      %dma_wait3A_292 = tpu.memref_slice %arg3[%dma_wait3A_290, %dma_wait3A_291] : memref<1000000x128xf32, #tpu.memory_space<hbm>> -> memref<1000000x128xf32, #tpu.memory_space<hbm>>
      tpu.wait_indirect_dma semaphore(%arg11 : memref<!tpu.dma_semaphore, #tpu.memory_space<semaphore_mem>>) src(%dma_wait3A_292 : memref<1000000x128xf32, #tpu.memory_space<hbm>>) dst(%dma_wait3A_286 : memref<128x128xf32, #tpu.memory_space<vmem>>)
      %dma_wait3A_293 = arith.constant 1 : i32
      %dma_wait3A_294 = arith.constant 1 : i32
      %dma_wait3A_295 = arith.constant 1 : i32
      %dma_wait3A_296 = arith.constant 1 : i32
      %dma_wait3A_297 = arith.constant 0 : i32
      %dma_wait3A_298 = arith.constant 0 : i32
      %dma_wait3A_299 = tpu.memref_slice %arg6[%dma_wait3A_295, %dma_wait3A_296, %dma_wait3A_297, %dma_wait3A_298] : memref<2x2x128x128xf32, #tpu.memory_space<vmem>> -> memref<1x1x128x128xf32, #tpu.memory_space<vmem>>
      %dma_wait3A_300 = tpu.memref_squeeze %dma_wait3A_299 : memref<1x1x128x128xf32, #tpu.memory_space<vmem>> -> memref<128x128xf32, #tpu.memory_space<vmem>>
      %dma_wait3A_301 = arith.constant 0 : i32
      %dma_wait3A_302 = tpu.memref_slice %arg5[%dma_wait3A_293, %dma_wait3A_294, %dma_wait3A_301] : memref<2x2x128xi32, #tpu.memory_space<vmem>> -> memref<1x1x128xi32, #tpu.memory_space<vmem>>
      %dma_wait3A_303 = tpu.memref_squeeze %dma_wait3A_302 : memref<1x1x128xi32, #tpu.memory_space<vmem>> -> memref<128xi32, #tpu.memory_space<vmem>>
      %dma_wait3A_304 = arith.constant 0 : i32
      %dma_wait3A_305 = arith.constant 0 : i32
      %dma_wait3A_306 = tpu.memref_slice %arg3[%dma_wait3A_304, %dma_wait3A_305] : memref<1000000x128xf32, #tpu.memory_space<hbm>> -> memref<1000000x128xf32, #tpu.memory_space<hbm>>
      tpu.wait_indirect_dma semaphore(%arg11 : memref<!tpu.dma_semaphore, #tpu.memory_space<semaphore_mem>>) src(%dma_wait3A_306 : memref<1000000x128xf32, #tpu.memory_space<hbm>>) dst(%dma_wait3A_300 : memref<128x128xf32, #tpu.memory_space<vmem>>)
      %lt3A_307 = arith.constant 63 : i32
      %lt3A_308 = arith.cmpi slt, %scan3A_113, %lt3A_307 : i32
      %convert_element_type3A_309 = arith.extui %lt3A_308 : i1 to i32
      %cond3A_310 = arith.constant 0 : i32
      %cond3A_311 = arith.cmpi ne, %convert_element_type3A_309, %cond3A_310 : i32
      scf.if %cond3A_311 {
        %add3A_387 = arith.constant 2 : i32
        %add3A_388 = arith.addi %add3A_117, %add3A_387 : i32
        %add3A_389 = arith.addi %mul3A_2, %add3A_388 : i32
        %mul3A_390 = arith.constant 200 : i32
        %mul3A_391 = arith.muli %add3A_389, %mul3A_390 : i32
        %add3A_392 = arith.constant 88 : i32
        %add3A_393 = arith.addi %mul3A_391, %add3A_392 : i32
        %dma_start3A_394 = arith.constant 1 : i32
        %dma_start3A_395 = arith.constant 0 : i32
        %dma_start3A_396 = arith.constant 0 : i32
        %dma_start3A_397 = tpu.memref_slice %arg5[%dma_start3A_394, %dma_start3A_395, %dma_start3A_396] : memref<2x2x128xi32, #tpu.memory_space<vmem>> -> memref<1x1x128xi32, #tpu.memory_space<vmem>>
        %dma_start3A_398 = tpu.memref_squeeze %dma_start3A_397 : memref<1x1x128xi32, #tpu.memory_space<vmem>> -> memref<128xi32, #tpu.memory_space<vmem>>
        %dma_start3A_399 = tpu.memref_slice %arg2[%mul3A_391] : memref<819264xi32, #tpu.memory_space<hbm>> -> memref<128xi32, #tpu.memory_space<hbm>>
        %dma_start3A_400 = arith.constant 0 : i32
        %dma_start3A_401 = tpu.memref_slice %arg5[%dma_start3A_394, %dma_start3A_395, %dma_start3A_400] : memref<2x2x128xi32, #tpu.memory_space<vmem>> -> memref<1x1x128xi32, #tpu.memory_space<vmem>>
        %dma_start3A_402 = tpu.memref_squeeze %dma_start3A_401 : memref<1x1x128xi32, #tpu.memory_space<vmem>> -> memref<128xi32, #tpu.memory_space<vmem>>
        %dma_start3A_403 = tpu.memref_slice %arg2[%mul3A_391] : memref<819264xi32, #tpu.memory_space<hbm>> -> memref<128xi32, #tpu.memory_space<hbm>>
        tpu.enqueue_dma source(%dma_start3A_403 : memref<128xi32, #tpu.memory_space<hbm>>) target(%dma_start3A_402 : memref<128xi32, #tpu.memory_space<vmem>>) target_semaphore(%arg9 : memref<!tpu.dma_semaphore, #tpu.memory_space<semaphore_mem>>)
        %dma_start3A_404 = arith.constant 1 : i32
        %dma_start3A_405 = arith.constant 1 : i32
        %dma_start3A_406 = arith.constant 0 : i32
        %dma_start3A_407 = tpu.memref_slice %arg5[%dma_start3A_404, %dma_start3A_405, %dma_start3A_406] : memref<2x2x128xi32, #tpu.memory_space<vmem>> -> memref<1x1x128xi32, #tpu.memory_space<vmem>>
        %dma_start3A_408 = tpu.memref_squeeze %dma_start3A_407 : memref<1x1x128xi32, #tpu.memory_space<vmem>> -> memref<128xi32, #tpu.memory_space<vmem>>
        %dma_start3A_409 = tpu.memref_slice %arg2[%add3A_393] : memref<819264xi32, #tpu.memory_space<hbm>> -> memref<128xi32, #tpu.memory_space<hbm>>
        %dma_start3A_410 = arith.constant 0 : i32
        %dma_start3A_411 = tpu.memref_slice %arg5[%dma_start3A_404, %dma_start3A_405, %dma_start3A_410] : memref<2x2x128xi32, #tpu.memory_space<vmem>> -> memref<1x1x128xi32, #tpu.memory_space<vmem>>
        %dma_start3A_412 = tpu.memref_squeeze %dma_start3A_411 : memref<1x1x128xi32, #tpu.memory_space<vmem>> -> memref<128xi32, #tpu.memory_space<vmem>>
        %dma_start3A_413 = tpu.memref_slice %arg2[%add3A_393] : memref<819264xi32, #tpu.memory_space<hbm>> -> memref<128xi32, #tpu.memory_space<hbm>>
        tpu.enqueue_dma source(%dma_start3A_413 : memref<128xi32, #tpu.memory_space<hbm>>) target(%dma_start3A_412 : memref<128xi32, #tpu.memory_space<vmem>>) target_semaphore(%arg9 : memref<!tpu.dma_semaphore, #tpu.memory_space<semaphore_mem>>)
      } else {
      }
      %broadcast_in_dim3A_312 = arith.constant 0.000000e+00 : f32
      %broadcast_in_dim3A_313 = vector.broadcast %broadcast_in_dim3A_312 : f32 to vector<16xf32>
      %broadcast_in_dim3A_314 = arith.constant 0.000000e+00 : f32
      %broadcast_in_dim3A_315 = vector.broadcast %broadcast_in_dim3A_314 : f32 to vector<16xf32>
      %broadcast_in_dim3A_316 = arith.constant 0.000000e+00 : f32
      %broadcast_in_dim3A_317 = vector.broadcast %broadcast_in_dim3A_316 : f32 to vector<16xf32>
      %broadcast_in_dim3A_318 = arith.constant 0.000000e+00 : f32
      %broadcast_in_dim3A_319 = vector.broadcast %broadcast_in_dim3A_318 : f32 to vector<16xf32>
      %broadcast_in_dim3A_320 = arith.constant 0.000000e+00 : f32
      %broadcast_in_dim3A_321 = vector.broadcast %broadcast_in_dim3A_320 : f32 to vector<16xf32>
      %broadcast_in_dim3A_322 = arith.constant 0.000000e+00 : f32
      %broadcast_in_dim3A_323 = vector.broadcast %broadcast_in_dim3A_322 : f32 to vector<16xf32>
      %broadcast_in_dim3A_324 = arith.constant 0.000000e+00 : f32
      %broadcast_in_dim3A_325 = vector.broadcast %broadcast_in_dim3A_324 : f32 to vector<16xf32>
      %scan3A_326 = arith.constant 0 : i32
      %scan3A_327 = arith.constant 112 : i32
      %scan3A_328 = arith.addi %scan3A_326, %scan3A_327 : i32
      %scan3A_329 = arith.constant 1 : i32
      %scan3A_330:7 = scf.for %scan3A_387 = %scan3A_326 to %scan3A_328 step %scan3A_329 iter_args(%scan3A_388 = %broadcast_in_dim3A_313, %scan3A_389 = %broadcast_in_dim3A_315, %scan3A_390 = %broadcast_in_dim3A_317, %scan3A_391 = %broadcast_in_dim3A_319, %scan3A_392 = %broadcast_in_dim3A_321, %scan3A_393 = %broadcast_in_dim3A_323, %scan3A_394 = %broadcast_in_dim3A_325) -> (vector<16xf32>, vector<16xf32>, vector<16xf32>, vector<16xf32>, vector<16xf32>, vector<16xf32>, vector<16xf32>)  : i32 {
        %get3A = arith.constant 1 : i32
        %get3A_395 = arith.constant 0 : i32
        %get3A_396 = arith.index_cast %get3A : i32 to index
        %get3A_397 = arith.index_cast %get3A_395 : i32 to index
        %get3A_398 = arith.index_cast %scan3A_387 : i32 to index
        %get3A_399 = arith.constant 0 : index
        %get3A_400 = tpu.vector_load %arg6[%get3A_396, %get3A_397, %get3A_398, %get3A_399] {strides = array<i32>} : memref<2x2x128x128xf32, #tpu.memory_space<vmem>>, vector<1x1x1x16xf32>,
        %get3A_401 = vector.shape_cast %get3A_400 : vector<1x1x1x16xf32> to vector<16xf32>
        %add3A_402 = arith.addf %scan3A_388, %get3A_401 : vector<16xf32>
        %get3A_403 = arith.constant 1 : i32
        %get3A_404 = arith.constant 0 : i32
        %get3A_405 = arith.index_cast %get3A_403 : i32 to index
        %get3A_406 = arith.index_cast %get3A_404 : i32 to index
        %get3A_407 = arith.index_cast %scan3A_387 : i32 to index
        %get3A_408 = arith.constant 16 : index
        %get3A_409 = tpu.vector_load %arg6[%get3A_405, %get3A_406, %get3A_407, %get3A_408] {strides = array<i32>} : memref<2x2x128x128xf32, #tpu.memory_space<vmem>>, vector<1x1x1x16xf32>,
        %get3A_410 = vector.shape_cast %get3A_409 : vector<1x1x1x16xf32> to vector<16xf32>
        %add3A_411 = arith.addf %scan3A_389, %get3A_410 : vector<16xf32>
        %get3A_412 = arith.constant 1 : i32
        %get3A_413 = arith.constant 0 : i32
        %get3A_414 = arith.index_cast %get3A_412 : i32 to index
        %get3A_415 = arith.index_cast %get3A_413 : i32 to index
        %get3A_416 = arith.index_cast %scan3A_387 : i32 to index
        %get3A_417 = arith.constant 32 : index
        %get3A_418 = tpu.vector_load %arg6[%get3A_414, %get3A_415, %get3A_416, %get3A_417] {strides = array<i32>} : memref<2x2x128x128xf32, #tpu.memory_space<vmem>>, vector<1x1x1x16xf32>,
        %get3A_419 = vector.shape_cast %get3A_418 : vector<1x1x1x16xf32> to vector<16xf32>
        %add3A_420 = arith.addf %scan3A_390, %get3A_419 : vector<16xf32>
        %get3A_421 = arith.constant 1 : i32
        %get3A_422 = arith.constant 0 : i32
        %get3A_423 = arith.index_cast %get3A_421 : i32 to index
        %get3A_424 = arith.index_cast %get3A_422 : i32 to index
        %get3A_425 = arith.index_cast %scan3A_387 : i32 to index
        %get3A_426 = arith.constant 48 : index
        %get3A_427 = tpu.vector_load %arg6[%get3A_423, %get3A_424, %get3A_425, %get3A_426] {strides = array<i32>} : memref<2x2x128x128xf32, #tpu.memory_space<vmem>>, vector<1x1x1x16xf32>,
        %get3A_428 = vector.shape_cast %get3A_427 : vector<1x1x1x16xf32> to vector<16xf32>
        %add3A_429 = arith.addf %scan3A_391, %get3A_428 : vector<16xf32>
        %get3A_430 = arith.constant 1 : i32
        %get3A_431 = arith.constant 0 : i32
        %get3A_432 = arith.index_cast %get3A_430 : i32 to index
        %get3A_433 = arith.index_cast %get3A_431 : i32 to index
        %get3A_434 = arith.index_cast %scan3A_387 : i32 to index
        %get3A_435 = arith.constant 64 : index
        %get3A_436 = tpu.vector_load %arg6[%get3A_432, %get3A_433, %get3A_434, %get3A_435] {strides = array<i32>} : memref<2x2x128x128xf32, #tpu.memory_space<vmem>>, vector<1x1x1x16xf32>,
        %get3A_437 = vector.shape_cast %get3A_436 : vector<1x1x1x16xf32> to vector<16xf32>
        %add3A_438 = arith.addf %scan3A_392, %get3A_437 : vector<16xf32>
        %get3A_439 = arith.constant 1 : i32
        %get3A_440 = arith.constant 0 : i32
        %get3A_441 = arith.index_cast %get3A_439 : i32 to index
        %get3A_442 = arith.index_cast %get3A_440 : i32 to index
        %get3A_443 = arith.index_cast %scan3A_387 : i32 to index
        %get3A_444 = arith.constant 80 : index
        %get3A_445 = tpu.vector_load %arg6[%get3A_441, %get3A_442, %get3A_443, %get3A_444] {strides = array<i32>} : memref<2x2x128x128xf32, #tpu.memory_space<vmem>>, vector<1x1x1x16xf32>,
        %get3A_446 = vector.shape_cast %get3A_445 : vector<1x1x1x16xf32> to vector<16xf32>
        %add3A_447 = arith.addf %scan3A_393, %get3A_446 : vector<16xf32>
        %get3A_448 = arith.constant 1 : i32
        %get3A_449 = arith.constant 0 : i32
        %get3A_450 = arith.index_cast %get3A_448 : i32 to index
        %get3A_451 = arith.index_cast %get3A_449 : i32 to index
        %get3A_452 = arith.index_cast %scan3A_387 : i32 to index
        %get3A_453 = arith.constant 84 : index
        %get3A_454 = tpu.vector_load %arg6[%get3A_450, %get3A_451, %get3A_452, %get3A_453] {strides = array<i32>} : memref<2x2x128x128xf32, #tpu.memory_space<vmem>>, vector<1x1x1x16xf32>,
        %get3A_455 = vector.shape_cast %get3A_454 : vector<1x1x1x16xf32> to vector<16xf32>
        %add3A_456 = arith.addf %scan3A_394, %get3A_455 : vector<16xf32>
        scf.yield %add3A_402, %add3A_411, %add3A_420, %add3A_429, %add3A_438, %add3A_447, %add3A_456 : vector<16xf32>, vector<16xf32>, vector<16xf32>, vector<16xf32>, vector<16xf32>, vector<16xf32>, vector<16xf32>
      }
      %scan3A_331 = arith.constant 112 : i32
      %scan3A_332 = arith.constant 24 : i32
      %scan3A_333 = arith.constant 88 : i32
      %scan3A_334 = arith.addi %scan3A_332, %scan3A_333 : i32
      %scan3A_335 = arith.constant 1 : i32
      %scan3A_336:7 = scf.for %scan3A_387 = %scan3A_332 to %scan3A_334 step %scan3A_335 iter_args(%scan3A_388 = %scan3A_330#0, %scan3A_389 = %scan3A_330#1, %scan3A_390 = %scan3A_330#2, %scan3A_391 = %scan3A_330#3, %scan3A_392 = %scan3A_330#4, %scan3A_393 = %scan3A_330#5, %scan3A_394 = %scan3A_330#6) -> (vector<16xf32>, vector<16xf32>, vector<16xf32>, vector<16xf32>, vector<16xf32>, vector<16xf32>, vector<16xf32>)  : i32 {
        %get3A = arith.constant 1 : i32
        %get3A_395 = arith.constant 1 : i32
        %get3A_396 = arith.index_cast %get3A : i32 to index
        %get3A_397 = arith.index_cast %get3A_395 : i32 to index
        %get3A_398 = arith.index_cast %scan3A_387 : i32 to index
        %get3A_399 = arith.constant 0 : index
        %get3A_400 = tpu.vector_load %arg6[%get3A_396, %get3A_397, %get3A_398, %get3A_399] {strides = array<i32>} : memref<2x2x128x128xf32, #tpu.memory_space<vmem>>, vector<1x1x1x16xf32>,
        %get3A_401 = vector.shape_cast %get3A_400 : vector<1x1x1x16xf32> to vector<16xf32>
        %add3A_402 = arith.addf %scan3A_388, %get3A_401 : vector<16xf32>
        %get3A_403 = arith.constant 1 : i32
        %get3A_404 = arith.constant 1 : i32
        %get3A_405 = arith.index_cast %get3A_403 : i32 to index
        %get3A_406 = arith.index_cast %get3A_404 : i32 to index
        %get3A_407 = arith.index_cast %scan3A_387 : i32 to index
        %get3A_408 = arith.constant 16 : index
        %get3A_409 = tpu.vector_load %arg6[%get3A_405, %get3A_406, %get3A_407, %get3A_408] {strides = array<i32>} : memref<2x2x128x128xf32, #tpu.memory_space<vmem>>, vector<1x1x1x16xf32>,
        %get3A_410 = vector.shape_cast %get3A_409 : vector<1x1x1x16xf32> to vector<16xf32>
        %add3A_411 = arith.addf %scan3A_389, %get3A_410 : vector<16xf32>
        %get3A_412 = arith.constant 1 : i32
        %get3A_413 = arith.constant 1 : i32
        %get3A_414 = arith.index_cast %get3A_412 : i32 to index
        %get3A_415 = arith.index_cast %get3A_413 : i32 to index
        %get3A_416 = arith.index_cast %scan3A_387 : i32 to index
        %get3A_417 = arith.constant 32 : index
        %get3A_418 = tpu.vector_load %arg6[%get3A_414, %get3A_415, %get3A_416, %get3A_417] {strides = array<i32>} : memref<2x2x128x128xf32, #tpu.memory_space<vmem>>, vector<1x1x1x16xf32>,
        %get3A_419 = vector.shape_cast %get3A_418 : vector<1x1x1x16xf32> to vector<16xf32>
        %add3A_420 = arith.addf %scan3A_390, %get3A_419 : vector<16xf32>
        %get3A_421 = arith.constant 1 : i32
        %get3A_422 = arith.constant 1 : i32
        %get3A_423 = arith.index_cast %get3A_421 : i32 to index
        %get3A_424 = arith.index_cast %get3A_422 : i32 to index
        %get3A_425 = arith.index_cast %scan3A_387 : i32 to index
        %get3A_426 = arith.constant 48 : index
        %get3A_427 = tpu.vector_load %arg6[%get3A_423, %get3A_424, %get3A_425, %get3A_426] {strides = array<i32>} : memref<2x2x128x128xf32, #tpu.memory_space<vmem>>, vector<1x1x1x16xf32>,
        %get3A_428 = vector.shape_cast %get3A_427 : vector<1x1x1x16xf32> to vector<16xf32>
        %add3A_429 = arith.addf %scan3A_391, %get3A_428 : vector<16xf32>
        %get3A_430 = arith.constant 1 : i32
        %get3A_431 = arith.constant 1 : i32
        %get3A_432 = arith.index_cast %get3A_430 : i32 to index
        %get3A_433 = arith.index_cast %get3A_431 : i32 to index
        %get3A_434 = arith.index_cast %scan3A_387 : i32 to index
        %get3A_435 = arith.constant 64 : index
        %get3A_436 = tpu.vector_load %arg6[%get3A_432, %get3A_433, %get3A_434, %get3A_435] {strides = array<i32>} : memref<2x2x128x128xf32, #tpu.memory_space<vmem>>, vector<1x1x1x16xf32>,
        %get3A_437 = vector.shape_cast %get3A_436 : vector<1x1x1x16xf32> to vector<16xf32>
        %add3A_438 = arith.addf %scan3A_392, %get3A_437 : vector<16xf32>
        %get3A_439 = arith.constant 1 : i32
        %get3A_440 = arith.constant 1 : i32
        %get3A_441 = arith.index_cast %get3A_439 : i32 to index
        %get3A_442 = arith.index_cast %get3A_440 : i32 to index
        %get3A_443 = arith.index_cast %scan3A_387 : i32 to index
        %get3A_444 = arith.constant 80 : index
        %get3A_445 = tpu.vector_load %arg6[%get3A_441, %get3A_442, %get3A_443, %get3A_444] {strides = array<i32>} : memref<2x2x128x128xf32, #tpu.memory_space<vmem>>, vector<1x1x1x16xf32>,
        %get3A_446 = vector.shape_cast %get3A_445 : vector<1x1x1x16xf32> to vector<16xf32>
        %add3A_447 = arith.addf %scan3A_393, %get3A_446 : vector<16xf32>
        %get3A_448 = arith.constant 1 : i32
        %get3A_449 = arith.constant 1 : i32
        %get3A_450 = arith.index_cast %get3A_448 : i32 to index
        %get3A_451 = arith.index_cast %get3A_449 : i32 to index
        %get3A_452 = arith.index_cast %scan3A_387 : i32 to index
        %get3A_453 = arith.constant 84 : index
        %get3A_454 = tpu.vector_load %arg6[%get3A_450, %get3A_451, %get3A_452, %get3A_453] {strides = array<i32>} : memref<2x2x128x128xf32, #tpu.memory_space<vmem>>, vector<1x1x1x16xf32>,
        %get3A_455 = vector.shape_cast %get3A_454 : vector<1x1x1x16xf32> to vector<16xf32>
        %add3A_456 = arith.addf %scan3A_394, %get3A_455 : vector<16xf32>
        scf.yield %add3A_402, %add3A_411, %add3A_420, %add3A_429, %add3A_438, %add3A_447, %add3A_456 : vector<16xf32>, vector<16xf32>, vector<16xf32>, vector<16xf32>, vector<16xf32>, vector<16xf32>, vector<16xf32>
      }
      %scan3A_337 = arith.constant 88 : i32
      %mul3A_338 = vector.broadcast %scan3A_107 : f32 to vector<16xf32>
      %mul3A_339 = arith.mulf %scan3A_336#0, %mul3A_338 : vector<16xf32>
      %swap3A_340 = arith.index_cast %add3A_117 : i32 to index
      %swap3A_341 = arith.constant 0 : index
      %swap3A_342 = tpu.vector_load %arg7[%swap3A_340, %swap3A_341] {strides = array<i32>} : memref<128x100xf32, #tpu.memory_space<vmem>>, vector<1x16xf32>,
      %swap3A_343 = vector.shape_cast %swap3A_342 : vector<1x16xf32> to vector<16xf32>
      %swap3A_344 = vector.shape_cast %mul3A_339 : vector<16xf32> to vector<1x16xf32>
      tpu.vector_store %arg7[%swap3A_340, %swap3A_341], %swap3A_344 {strides = array<i32>} : memref<128x100xf32, #tpu.memory_space<vmem>>, vector<1x16xf32>,
      %mul3A_345 = vector.broadcast %scan3A_107 : f32 to vector<16xf32>
      %mul3A_346 = arith.mulf %scan3A_336#1, %mul3A_345 : vector<16xf32>
      %swap3A_347 = arith.index_cast %add3A_117 : i32 to index
      %swap3A_348 = arith.constant 16 : index
      %swap3A_349 = tpu.vector_load %arg7[%swap3A_347, %swap3A_348] {strides = array<i32>} : memref<128x100xf32, #tpu.memory_space<vmem>>, vector<1x16xf32>,
      %swap3A_350 = vector.shape_cast %swap3A_349 : vector<1x16xf32> to vector<16xf32>
      %swap3A_351 = vector.shape_cast %mul3A_346 : vector<16xf32> to vector<1x16xf32>
      tpu.vector_store %arg7[%swap3A_347, %swap3A_348], %swap3A_351 {strides = array<i32>} : memref<128x100xf32, #tpu.memory_space<vmem>>, vector<1x16xf32>,
      %mul3A_352 = vector.broadcast %scan3A_107 : f32 to vector<16xf32>
      %mul3A_353 = arith.mulf %scan3A_336#2, %mul3A_352 : vector<16xf32>
      %swap3A_354 = arith.index_cast %add3A_117 : i32 to index
      %swap3A_355 = arith.constant 32 : index
      %swap3A_356 = tpu.vector_load %arg7[%swap3A_354, %swap3A_355] {strides = array<i32>} : memref<128x100xf32, #tpu.memory_space<vmem>>, vector<1x16xf32>,
      %swap3A_357 = vector.shape_cast %swap3A_356 : vector<1x16xf32> to vector<16xf32>
      %swap3A_358 = vector.shape_cast %mul3A_353 : vector<16xf32> to vector<1x16xf32>
      tpu.vector_store %arg7[%swap3A_354, %swap3A_355], %swap3A_358 {strides = array<i32>} : memref<128x100xf32, #tpu.memory_space<vmem>>, vector<1x16xf32>,
      %mul3A_359 = vector.broadcast %scan3A_107 : f32 to vector<16xf32>
      %mul3A_360 = arith.mulf %scan3A_336#3, %mul3A_359 : vector<16xf32>
      %swap3A_361 = arith.index_cast %add3A_117 : i32 to index
      %swap3A_362 = arith.constant 48 : index
      %swap3A_363 = tpu.vector_load %arg7[%swap3A_361, %swap3A_362] {strides = array<i32>} : memref<128x100xf32, #tpu.memory_space<vmem>>, vector<1x16xf32>,
      %swap3A_364 = vector.shape_cast %swap3A_363 : vector<1x16xf32> to vector<16xf32>
      %swap3A_365 = vector.shape_cast %mul3A_360 : vector<16xf32> to vector<1x16xf32>
      tpu.vector_store %arg7[%swap3A_361, %swap3A_362], %swap3A_365 {strides = array<i32>} : memref<128x100xf32, #tpu.memory_space<vmem>>, vector<1x16xf32>,
      %mul3A_366 = vector.broadcast %scan3A_107 : f32 to vector<16xf32>
      %mul3A_367 = arith.mulf %scan3A_336#4, %mul3A_366 : vector<16xf32>
      %swap3A_368 = arith.index_cast %add3A_117 : i32 to index
      %swap3A_369 = arith.constant 64 : index
      %swap3A_370 = tpu.vector_load %arg7[%swap3A_368, %swap3A_369] {strides = array<i32>} : memref<128x100xf32, #tpu.memory_space<vmem>>, vector<1x16xf32>,
      %swap3A_371 = vector.shape_cast %swap3A_370 : vector<1x16xf32> to vector<16xf32>
      %swap3A_372 = vector.shape_cast %mul3A_367 : vector<16xf32> to vector<1x16xf32>
      tpu.vector_store %arg7[%swap3A_368, %swap3A_369], %swap3A_372 {strides = array<i32>} : memref<128x100xf32, #tpu.memory_space<vmem>>, vector<1x16xf32>,
      %mul3A_373 = vector.broadcast %scan3A_107 : f32 to vector<16xf32>
      %mul3A_374 = arith.mulf %scan3A_336#5, %mul3A_373 : vector<16xf32>
      %swap3A_375 = arith.index_cast %add3A_117 : i32 to index
      %swap3A_376 = arith.constant 80 : index
      %swap3A_377 = tpu.vector_load %arg7[%swap3A_375, %swap3A_376] {strides = array<i32>} : memref<128x100xf32, #tpu.memory_space<vmem>>, vector<1x16xf32>,
      %swap3A_378 = vector.shape_cast %swap3A_377 : vector<1x16xf32> to vector<16xf32>
      %swap3A_379 = vector.shape_cast %mul3A_374 : vector<16xf32> to vector<1x16xf32>
      tpu.vector_store %arg7[%swap3A_375, %swap3A_376], %swap3A_379 {strides = array<i32>} : memref<128x100xf32, #tpu.memory_space<vmem>>, vector<1x16xf32>,
      %mul3A_380 = vector.broadcast %scan3A_107 : f32 to vector<16xf32>
      %mul3A_381 = arith.mulf %scan3A_336#6, %mul3A_380 : vector<16xf32>
      %swap3A_382 = arith.index_cast %add3A_117 : i32 to index
      %swap3A_383 = arith.constant 84 : index
      %swap3A_384 = tpu.vector_load %arg7[%swap3A_382, %swap3A_383] {strides = array<i32>} : memref<128x100xf32, #tpu.memory_space<vmem>>, vector<1x16xf32>,
      %swap3A_385 = vector.shape_cast %swap3A_384 : vector<1x16xf32> to vector<16xf32>
      %swap3A_386 = vector.shape_cast %mul3A_381 : vector<16xf32> to vector<1x16xf32>
      tpu.vector_store %arg7[%swap3A_382, %swap3A_383], %swap3A_386 {strides = array<i32>} : memref<128x100xf32, #tpu.memory_space<vmem>>, vector<1x16xf32>,
    }
    %scan3A_112 = arith.constant 64 : i32
    "tpu.region"() ({
      %run_scoped3A = tpu.sem_alloc : memref<!tpu.dma_semaphore, #tpu.memory_space<semaphore_mem>>
      %dma_start3A_113 = arith.constant 0 : i32
      %dma_start3A_114 = tpu.memref_slice %arg4[%mul3A_2, %dma_start3A_113] : memref<4096x100xf32, #tpu.memory_space<hbm>> -> memref<128x100xf32, #tpu.memory_space<hbm>>
      %dma_start3A_115 = arith.constant 0 : i32
      %dma_start3A_116 = tpu.memref_slice %arg4[%mul3A_2, %dma_start3A_115] : memref<4096x100xf32, #tpu.memory_space<hbm>> -> memref<128x100xf32, #tpu.memory_space<hbm>>
      tpu.enqueue_dma source(%arg7 : memref<128x100xf32, #tpu.memory_space<vmem>>) target(%dma_start3A_116 : memref<128x100xf32, #tpu.memory_space<hbm>>) target_semaphore(%run_scoped3A : memref<!tpu.dma_semaphore, #tpu.memory_space<semaphore_mem>>)
      %dma_wait3A_117 = arith.constant 0 : i32
      %dma_wait3A_118 = tpu.memref_slice %arg4[%mul3A_2, %dma_wait3A_117] : memref<4096x100xf32, #tpu.memory_space<hbm>> -> memref<128x100xf32, #tpu.memory_space<hbm>>
      %dma_wait3A_119 = arith.constant 0 : i32
      %dma_wait3A_120 = tpu.memref_slice %arg4[%mul3A_2, %dma_wait3A_119] : memref<4096x100xf32, #tpu.memory_space<hbm>> -> memref<128x100xf32, #tpu.memory_space<hbm>>
      tpu.wait_dma2 semaphore(%run_scoped3A : memref<!tpu.dma_semaphore, #tpu.memory_space<semaphore_mem>>) src(%arg7 : memref<128x100xf32, #tpu.memory_space<vmem>>) dst(%dma_wait3A_120 : memref<128x100xf32, #tpu.memory_space<hbm>>)
      tpu.yield
    }) : () -> ()
    return
  }
}

module attributes {stable_mosaic.version = 14 : i64} {
  func.func @body(%arg0: i32, %arg1: memref<100x8192xf32, #tpu.memory_space<vmem>>, %arg2: memref<8192x128xf32, #tpu.memory_space<vmem>>) attributes {dimension_semantics = [#tpu.dimension_semantics<arbitrary>], iteration_bounds = array<i64: 123>, scalar_prefetch = 0 : i64, scratch_operands = 0 : i64, tpu.core_type = #tpu.core_type<tc>, window_params = [{transform_indices = @transform_0, window_bounds = array<i64: 100, 8192>}, {transform_indices = @transform_1, window_bounds = array<i64: 8192, 128>}]} {
    %get3A = arith.constant 0 : index
    %get3A_0 = arith.constant 0 : index
    %get3A_1 = vector.load %arg1[%get3A, %get3A_0] : memref<100x8192xf32, #tpu.memory_space<vmem>>, vector<100x8192xf32>
    %transpose3A = tpu.transpose %get3A_1, [1, 0] : vector<100x8192xf32> -> vector<8192x100xf32>
    %swap3A = arith.constant 0 : index
    %swap3A_2 = arith.constant 0 : index
    %swap3A_3 = vector.load %arg2[%swap3A, %swap3A_2] : memref<8192x128xf32, #tpu.memory_space<vmem>>, vector<8192x100xf32>
    tpu.vector_store %arg2[%swap3A, %swap3A_2], %transpose3A {strides = array<i32>} : memref<8192x128xf32, #tpu.memory_space<vmem>>, vector<8192x100xf32>,
    return
  }
  func.func @transform_0(%arg0: i32) -> (i32, i32) {
    %c0_i32 = arith.constant 0 : i32
    %c0_i32_0 = arith.constant 0 : i32
    return %c0_i32, %arg0 : i32, i32
  }
  func.func @transform_1(%arg0: i32) -> (i32, i32) {
    %c0_i32 = arith.constant 0 : i32
    %c0_i32_0 = arith.constant 0 : i32
    return %arg0, %c0_i32 : i32, i32
  }
}

module attributes {stable_mosaic.version = 14 : i64} {
  func.func @body(%arg0: i32, %arg1: memref<512x100xf32, #tpu.memory_space<vmem>>, %arg2: memref<100x150xf32, #tpu.memory_space<vmem>>, %arg3: memref<1x150xf32, #tpu.memory_space<vmem>>, %arg4: memref<150x1000xf32, #tpu.memory_space<vmem>>, %arg5: memref<1x1000xf32, #tpu.memory_space<vmem>>, %arg6: memref<512x1000xf32, #tpu.memory_space<vmem>>) attributes {dimension_semantics = [#tpu.dimension_semantics<arbitrary>], iteration_bounds = array<i64: 8>, scalar_prefetch = 0 : i64, scratch_operands = 0 : i64, tpu.core_type = #tpu.core_type<tc>, window_params = [{transform_indices = @transform_0, window_bounds = array<i64: 512, 100>}, {pipeline_mode = #tpu.pipeline_mode<synchronous>, transform_indices = @transform_1, window_bounds = array<i64: 100, 150>}, {pipeline_mode = #tpu.pipeline_mode<synchronous>, transform_indices = @transform_2, window_bounds = array<i64: 1, 150>}, {pipeline_mode = #tpu.pipeline_mode<synchronous>, transform_indices = @transform_3, window_bounds = array<i64: 150, 1000>}, {pipeline_mode = #tpu.pipeline_mode<synchronous>, transform_indices = @transform_4, window_bounds = array<i64: 1, 1000>}, {transform_indices = @transform_5, window_bounds = array<i64: 512, 1000>}]} {
    %get3A = arith.constant 0 : index
    %get3A_0 = arith.constant 0 : index
    %get3A_1 = vector.load %arg1[%get3A, %get3A_0] : memref<512x100xf32, #tpu.memory_space<vmem>>, vector<512x100xf32>
    %get3A_2 = arith.constant 0 : index
    %get3A_3 = arith.constant 0 : index
    %get3A_4 = vector.load %arg2[%get3A_2, %get3A_3] : memref<100x150xf32, #tpu.memory_space<vmem>>, vector<100x150xf32>
    %dot_general3A = arith.constant dense<0.000000e+00> : vector<512x150xf32>
    %dot_general3A_5 = tpu.matmul %get3A_1, %get3A_4, %dot_general3A {dimension_numbers = #tpu.dot_dimension_numbers<[1], [0], [0], [1], [0, 0, 1, 1], [], []>, transpose_lhs_hint = false} : vector<512x100xf32>, vector<100x150xf32>, vector<512x150xf32> -> vector<512x150xf32>
    %get3A_6 = arith.constant 0 : index
    %get3A_7 = arith.constant 0 : index
    %get3A_8 = vector.load %arg3[%get3A_6, %get3A_7] : memref<1x150xf32, #tpu.memory_space<vmem>>, vector<1x150xf32>
    %add3A = vector.broadcast %get3A_8 : vector<1x150xf32> to vector<512x150xf32>
    %add3A_9 = arith.addf %dot_general3A_5, %add3A : vector<512x150xf32>
    %get3A_10 = arith.constant 0 : index
    %get3A_11 = arith.constant 0 : index
    %get3A_12 = vector.load %arg4[%get3A_10, %get3A_11] : memref<150x1000xf32, #tpu.memory_space<vmem>>, vector<150x1000xf32>
    %dot_general3A_13 = arith.constant dense<0.000000e+00> : vector<512x1000xf32>
    %dot_general3A_14 = tpu.matmul %add3A_9, %get3A_12, %dot_general3A_13 {dimension_numbers = #tpu.dot_dimension_numbers<[1], [0], [0], [1], [0, 0, 1, 1], [], []>, transpose_lhs_hint = false} : vector<512x150xf32>, vector<150x1000xf32>, vector<512x1000xf32> -> vector<512x1000xf32>
    %get3A_15 = arith.constant 0 : index
    %get3A_16 = arith.constant 0 : index
    %get3A_17 = vector.load %arg5[%get3A_15, %get3A_16] : memref<1x1000xf32, #tpu.memory_space<vmem>>, vector<1x1000xf32>
    %add3A_18 = vector.broadcast %get3A_17 : vector<1x1000xf32> to vector<512x1000xf32>
    %add3A_19 = arith.addf %dot_general3A_14, %add3A_18 : vector<512x1000xf32>
    %swap3A = arith.constant 0 : index
    %swap3A_20 = arith.constant 0 : index
    %swap3A_21 = vector.load %arg6[%swap3A, %swap3A_20] : memref<512x1000xf32, #tpu.memory_space<vmem>>, vector<512x1000xf32>
    tpu.vector_store %arg6[%swap3A, %swap3A_20], %add3A_19 {strides = array<i32>} : memref<512x1000xf32, #tpu.memory_space<vmem>>, vector<512x1000xf32>,
    return
  }
  func.func @transform_0(%arg0: i32) -> (i32, i32) {
    %c0_i32 = arith.constant 0 : i32
    %c0_i32_0 = arith.constant 0 : i32
    return %arg0, %c0_i32 : i32, i32
  }
  func.func @transform_1(%arg0: i32) -> (i32, i32) {
    %c0_i32 = arith.constant 0 : i32
    %c0_i32_0 = arith.constant 0 : i32
    %c0_i32_1 = arith.constant 0 : i32
    return %c0_i32, %c0_i32_0 : i32, i32
  }
  func.func @transform_2(%arg0: i32) -> (i32, i32) {
    %c0_i32 = arith.constant 0 : i32
    %c0_i32_0 = arith.constant 0 : i32
    %c0_i32_1 = arith.constant 0 : i32
    return %c0_i32, %c0_i32_0 : i32, i32
  }
  func.func @transform_3(%arg0: i32) -> (i32, i32) {
    %c0_i32 = arith.constant 0 : i32
    %c0_i32_0 = arith.constant 0 : i32
    %c0_i32_1 = arith.constant 0 : i32
    return %c0_i32, %c0_i32_0 : i32, i32
  }
  func.func @transform_4(%arg0: i32) -> (i32, i32) {
    %c0_i32 = arith.constant 0 : i32
    %c0_i32_0 = arith.constant 0 : i32
    %c0_i32_1 = arith.constant 0 : i32
    return %c0_i32, %c0_i32_0 : i32, i32
  }
  func.func @transform_5(%arg0: i32) -> (i32, i32) {
    %c0_i32 = arith.constant 0 : i32
    %c0_i32_0 = arith.constant 0 : i32
    return %arg0, %c0_i32 : i32, i32
  }
}

</mosaic_0001>

<sc_bundles>
// kernel: kernel.5.cloned.1.call-start
scs
__scs_entry_jumppad:
0x0: {  	(pc) =	sbr.rel $0x88, $3  }
0x1: {  	(tag) =	ssettag $0x0;
	lr =	simm.s32 $0x1  }
0x2: {  	[smem:$0x3F9B] =	sst lr;
	_ =	strace $0xD0000000  }
0x3: {  	_ = 	snop  }
0x4: {  	_ = 	snop  }
0x5: {  	_ = 	snop  }
0x6: {  	_ = 	snop  }
0x7: {  	_ = 	snop  }
__scs_overlays_trampoline_lowered:
0x8: {  	[smem:$0x3FAA] =	sst s0  }
0x9: {  	[smem:$0x3FAB] =	sst s1  }
0xa: {  	[smem:$0x3FAC] =	sst s2  }
0xb: {  	[smem:$0x3FAD] =	sst s3  }
0xc: {  	[smem:$0x3FAE] =	sst s4  }
0xd: {  	[smem:$0x3FAF] =	sst s5  }
0xe: {  	[smem:$0x3FB0] =	sst s6  }
0xf: {  	[smem:$0x3FB1] =	sst s7  }
0x10: {  	[smem:$0x3FB2] =	sst s8  }
0x11: {  	[smem:$0x3FB3] =	sst s9;
	s0 =	simm.s32 @!p0 $0x0  }
0x12: {  	s1 =	sld [smem:$0x3F99];
	s0 =	simm.s32 @p0 $0x1  }
0x13: {  	[smem:$0x3FB4] =	sst s0;
	s0 =	simm.s32 @!p1 $0x0  }
0x14: {  	s2 =	sld [smem:$0x3F98];
	s0 =	simm.s32 @p1 $0x1  }
0x15: {  	[smem:$0x3FB5] =	sst s0;
	s0 =	simm.s32 @!p2 $0x0  }
0x16: {  	s3 =	sld [smem:$0x3FDB];
	s0 =	simm.s32 @p2 $0x1  }
0x17: {  	s4 =	simm.s32 $0x1BF5;
	[smem:$0x3FB7] =	sst s0  }
0x18: {  	s0 =	sld [smem:$0x3F9A];
	_ =	swait.ge [sflag:s4], $0x0  }
0x19: {  	s7 =	sld [smem:$0x3F9B]  }
0x1a: {  	s8 =	sadd.s32 $0xFFFFE003, lr  }
0x1b: {  	s9 =	sadd.s32 $0xFFFFFEF7, lr;
	s5 =	simm.s32 $0xFFFFFFFF;
	p2 =	slt.u32 s8, $0xFFFFF086  }
0x1c: {  	p1 =	slt.u32 s9, $0xF7A;
	s5 =	simm.s32 @!p2 $0x0  }
0x1d: {  	s5 =	simm.s32 @p1 $0x1;
	p0 =	seq.s32 s7, s2  }
0x1e: {  	s7 =	smul.u32 @!p0 $0xF7A, s2;
	p2 =	seq.s32 @!p0 s5, $0x0  }
0x1f: {  	s9 =	smul.u32 $0xF7A, s1;
	s8 =	simm.s32 @!p0 $0x1BF5;
	p2 =	por !p2, p0  }
0x20: {  	[sflag:s8] =	ssyncset.s32 @!p0 $0xFFFFF086;
	s6 =	sadd.s32 @!p0 s3, s7;
	s7 =	simm.s32 @!p0 $0x108  }
0x21: {  	s3 =	sadd.s32 s3, s9;
	s6 =	sadd.s32 @!p0 $0x88, s6;
	s7 =	simm.s32 @p2 $0x1082  }
0x22: {  	[simem:s7], [sflag:s8] =	dma.local @!p0 [hbm:s6], $0xF7A  }
0x23: {  	s9 =	sor.u32 $0xD0000000, s2;
	s6 =	simm.s32 $0x108;
	_ =	swait.ge @!p0 [sflag:s8], $0x0  }
0x24: {  	s3 =	sadd.s32 $0x88, s3;
	s6 =	simm.s32 @!p1 $0x1082;
	[sflag:s4] =	ssyncset.s32 $0xFFFFF086  }
0x25: {  	[simem:s6], [sflag:s4] =	dma.local [hbm:s3], $0xF7A  }
0x26: {  	[smem:$0x3F9B] =	sst s1;
	(tag) =	ssettag s2;
	_ =	strace s9  }
0x27: {  	s1 =	sld [smem:$0x3FAB]  }
0x28: {  	s2 =	sld [smem:$0x3FAC]  }
0x29: {  	s4 =	sld [smem:$0x3FAE]  }
0x2a: {  	p0 =	seq.s32 s5, $0x0;
	s5 =	sld [smem:$0x3FAF]  }
0x2b: {  	s6 =	sld [smem:$0x3FB0]  }
0x2c: {  	s7 =	sld [smem:$0x3FB1]  }
0x2d: {  	s3 =	simm.s32 $0x108;
	s8 =	sld [smem:$0x3FB2]  }
0x2e: {  	s3 =	simm.s32 @!p0 $0x1082;
	s9 =	sld [smem:$0x3FB3]  }
0x2f: {  	lr =	sadd.s32 s0, s3;
	s0 =	sld [smem:$0x3FAA]  }
0x30: {  	s3 =	sld [smem:$0x3FAD]  }
0x31: {  	[smem:$0x3FB6] =	sst s10  }
0x32: {  	s10 =	sld [smem:$0x3FB4];
	_ =	sdelay $0x3  }
0x33: {  	p0 =	seq.s32 s10, $0x1;
	s10 =	sld [smem:$0x3FB6];
	_ =	sdelay $0x3  }
0x34: {  	[smem:$0x3FB6] =	sst s10  }
0x35: {  	s10 =	sld [smem:$0x3FB5];
	_ =	sdelay $0x3  }
0x36: {  	p1 =	seq.s32 s10, $0x1;
	s10 =	sld [smem:$0x3FB6];
	_ =	sdelay $0x3  }
0x37: {  	[smem:$0x3FB6] =	sst s10  }
0x38: {  	s10 =	sld [smem:$0x3FB7]  }
0x39: {  	_ = 	snop;
	(pc) =	sbr.ind lr, $3  }
0x3a: {  	_ = 	snop  }
0x3b: {  	_ = 	snop  }
0x3c: {  	p2 =	seq.s32 s10, $0x1;
	s10 =	sld [smem:$0x3FB6]  }
0x3d: {  	_ =	shalt  }
0x3e: {  	_ =	shalt  }
0x3f: {  	_ =	shalt  }
0x40: {  	_ =	shalt  }
0x41: {  	_ =	shalt  }
0x42: {  	_ =	shalt  }
0x43: {  	_ =	shalt  }
0x44: {  	_ =	shalt  }
0x45: {  	_ =	shalt  }
0x46: {  	_ =	shalt  }
0x47: {  	_ =	shalt  }
0x48: {  	_ =	shalt  }
0x49: {  	_ =	shalt  }
0x4a: {  	_ =	shalt  }
0x4b: {  	_ =	shalt  }
0x4c: {  	_ =	shalt  }
0x4d: {  	_ =	shalt  }
0x4e: {  	_ =	shalt  }
0x4f: {  	_ =	shalt  }
0x50: {  	_ =	shalt  }
0x51: {  	_ =	shalt  }
0x52: {  	_ =	shalt  }
0x53: {  	_ =	shalt  }
0x54: {  	_ =	shalt  }
0x55: {  	_ =	shalt  }
0x56: {  	_ =	shalt  }
0x57: {  	_ =	shalt  }
0x58: {  	_ =	shalt  }
0x59: {  	_ =	shalt  }
0x5a: {  	_ =	shalt  }
0x5b: {  	_ =	shalt  }
0x5c: {  	_ =	shalt  }
0x5d: {  	_ =	shalt  }
0x5e: {  	_ =	shalt  }
0x5f: {  	_ =	shalt  }
0x60: {  	_ =	shalt  }
0x61: {  	_ =	shalt  }
0x62: {  	_ =	shalt  }
0x63: {  	_ =	shalt  }
0x64: {  	_ =	shalt  }
0x65: {  	_ =	shalt  }
0x66: {  	_ =	shalt  }
0x67: {  	_ =	shalt  }
0x68: {  	_ =	shalt  }
0x69: {  	_ =	shalt  }
0x6a: {  	_ =	shalt  }
0x6b: {  	_ =	shalt  }
0x6c: {  	_ =	shalt  }
0x6d: {  	_ =	shalt  }
0x6e: {  	_ =	shalt  }
0x6f: {  	_ =	shalt  }
0x70: {  	_ =	shalt  }
0x71: {  	_ =	shalt  }
0x72: {  	_ =	shalt  }
0x73: {  	_ =	shalt  }
0x74: {  	_ =	shalt  }
0x75: {  	_ =	shalt  }
0x76: {  	_ =	shalt  }
0x77: {  	_ =	shalt  }
0x78: {  	_ =	shalt  }
0x79: {  	_ =	shalt  }
0x7a: {  	_ =	shalt  }
0x7b: {  	_ =	shalt  }
0x7c: {  	_ =	shalt  }
0x7d: {  	_ =	shalt  }
0x7e: {  	_ =	shalt  }
0x7f: {  	_ =	shalt  }
0x80: {  	_ =	shalt  }
0x81: {  	_ =	shalt  }
0x82: {  	_ =	shalt  }
0x83: {  	_ =	shalt  }
0x84: {  	_ =	shalt  }
0x85: {  	_ =	shalt  }
0x86: {  	_ =	shalt  }
0x87: {  	_ =	shalt  }
.Lfunc_end0:
.L_simem_size_0:
called_computation_lowered:
.L_overlay_start_0:
0x88: {  	s2 =	sld [smem:$0x3FD9]  }
0x89: {  	s3 =	sld [smem:$0x3FFE];
	_ =	sdelay $0x1  }
0x8a: {  	s1 =	srdreg.scid  }
0x8b: {  	s0 =	sand.u32 $0x1, s1  }
0x8c: {  	s17 =	sshll.u32 s0, $0xA;
	s2 =	sadd.s32 s3, s2  }
0x8d: {  	s2 =	sadd.s32 s2, s17  }
0x8e: {  	[smem:$0x3FC2] =	sst s2  }
0x8f: {  	_ = 	snop  }
0x90: {  	s2 =	sld [smem:$0x3FD0];
	(tm) =	ssettm $0x1  }
0x91: {  	s18 =	sld [smem:$0x3FFB];
	_ =	sdelay $0x3  }
0x92: {  	_ =	strace s18  }
0x93: {  	s3 =	sld [smem:$0x3FFC];
	_ =	sdelay $0x3  }
0x94: {  	_ =	strace s3  }
0x95: {  	s3 =	sld [smem:$0x3FFD];
	_ =	sdelay $0x3  }
0x96: {  	_ =	strace s3  }
0x97: {  	_ =	strace $0x8FFFFFFF  }
0x98: {  	s19 =	sld [smem:$0x3FDB];
	_ =	sdelay $0x1  }
0x99: {  	s4 =	simm.s32 $_scs_section_size  }
0x9a: {  	s5 =	simm.s32 $_size__tile_overlayer_lowered;
	s6 =	simm.s32 $_tile_overlayer_lowered  }
0x9b: {  	s22 =	simm.s32 $0x1BFF;
	s21 =	sshll.u32 s6, $0x1;
	s3 =	sadd.s32 s4, s19  }
0x9c: {  	s7 =	simm.s32 $0x0;
	s20 =	sshll.u32 s5, $0x1;
	s5 =	sadd.s32 s21, s3  }
0x9d: {  	[timem:s7], [sflag:s22] =	dma.local [hbm:s5], s20  }
0x9e: {  	_ =	swait.ge [sflag:s22], s20  }
0x9f: {  	s4 =	ssub.s32 $0x0, s20;
	[sflag:s22] =	ssyncset.done $0x0  }
0xa0: {  	[sflag:s22] =	ssyncadd.s32 s4;
	_ =	sdelay $0x1  }
0xa1: {  	s23 =	simm.s32 $0x1B8B  }
0xa2: {  	_ =	swait.ge [sflag:s23], $0x1  }
0xa3: {  	[sflag:s23] =	ssyncset.done $0x0  }
0xa4: {  	s25 =	simm.s32 $0x1B8E;
	s24 =	sld [smem:$0x3FFE];
	[sflag:s23] =	ssyncadd.s32 $0xFFFFFFFF  }
0xa5: {  	s26 =	simm.s32 $execute0_lowered;
	[smem:$0x3FD2] =	sst s25  }
0xa6: {  	s5 =	sshll.u32 s26, $0x1;
	_ =	strace $0x80000046;
	[dreg:$0x1] =	wrdreg $0xFFFFFFFF  }
0xa7: {  	s28 =	simm.s32 $_size_execute0_lowered;
	s3 =	sadd.s32 s3, s5;
	[dreg:$0x0] =	wrdreg $0x0  }
0xa8: {  	s5 =	sshll.u32 s28, $0x1;
	[dreg:$0x2] =	wrdreg s3  }
0xa9: {  	[dreg:$0x3] =	wrdreg s5  }
0xaa: {  	[dreg:$0x4] =	wrdreg $0xC0  }
0xab: {  	_ =	task [dreg:s7], $0x5FFFF  }
0xac: {  	[dreg:$0x1] =	wrdreg $0xFFFFFFFF  }
0xad: {  	[dreg:$0x0] =	wrdreg $0x60  }
0xae: {  	[dreg:$0x2] =	wrdreg s2  }
0xaf: {  	[dreg:$0x3] =	wrdreg s24  }
0xb0: {  	[dreg:$0x4] =	wrdreg $0x9  }
0xb1: {  	_ =	task.clear_ibuf [dreg:s7], $0x5FFFF;
	_ =	strace $0x90000046  }
0xb2: {  	s29 =	simm.s32 $0x9;
	_ =	strace $0x80000048  }
0xb3: {  	_ =	swait.ge [sflag:s29], $0x1  }
0xb4: {  	[sflag:s29] =	ssyncadd.s32 $0xFFFFFFFF  }
0xb5: {  	_ =	strace $0x90000048  }
0xb6: {  	_ =	sfence  }
0xb7: {  	s30 =	sld [smem:$0x0];
	_ =	sdelay $0x2  }
0xb8: {  	s31 =	sshll.u32 s1, $0xD;
	s1 =	sshrl.u32 s1, $0x2  }
0xb9: {  	s3 =	sand.u32 $0x4000, s31;
	s1 =	sadd.s32 s1, s30  }
0xba: {  	s0 =	sor.u32 s3, s0;
	s1 =	sshll.u32 s1, $0x11  }
0xbb: {  	s0 =	sor.u32 s1, s0  }
0xbc: {  	s0 =	sadd.s32 $0x8F2B, s0  }
0xbd: {  	[sflag:s0] =	ssyncadd.remote.s32 $0x1  }
0xbe: {  	_ =	sfence.sel $0xFFFF  }
0xbf: {  	[dreg:$0x0] =	wrdreg $0xFFFFFFFF;
	(pc) =	sbr.abs _section_cstart, $3  }
0xc0: {  	[dreg:$0x1] =	wrdreg $0xFFFFFFFF  }
0xc1: {  	_ =	task.clear_ibuf [dreg:s7], $0x2FFFF;
	_ =	strace $0x9FFFFFFF  }
0xc2: {  	(tm) =	ssettm $0x7FFFFFFF  }
0xc3: {  	_ =	shalt  }
tec
execute0_lowered:
.L_overlay_start_1:
0x0: {  	(tag) =	ssettag $0x1  }
0x1: {  	s2 =	rddreg [dreg:$0x0]  }
0x2: {  	s5 =	rddreg [dreg:$0x1];
	s4 =	srdreg.scid  }
0x3: {  	s1 =	stileid.u32;
	s3 =	simm.s32 $0x0;
	s13 =	simm.s32 $0x80  }
0x4: {  	s14 =	simm.s32 $0x1;
	s15 =	simm.s32 $0x200;
	s16 =	simm.s32 $0x4200  }
0x5: {  	s17 =	simm.s32 $0x100;
	s18 =	simm.s32 $0x180;
	s19 =	simm.s32 $0x2  }
0x6: {  	s20 =	simm.s32 $0x8200;
	s21 =	simm.s32 $0xC200;
	s22 =	simm.s32 $0x3  }
0x7: {  	s23 =	simm.s32 $0x10200;
	s24 =	simm.s32 $0x5;
	s25 =	simm.s32 $0x0  }
0x8: {  	s4 =	sand.u32 $0x1, s4;
	s6 =	sshll.u32 s1, $0x1;
	[smem:$0x7FF] =	sst s3  }
0x9: {  	s6 =	sor.u32 s4, s6;
	_ =	strace $0x80000047;
	s7 =	ssub.s32 $0x2, s4  }
0xa: {  	s4 =	sadd.s32 $0x1000, s5;
	s8 =	smul.u32 $0xC80, s6;
	s9 =	sshll.u32 s6, $0xB  }
0xb: {  	s10 =	sshrl.u32 s7, $0x1;
	s31 =	sshll.u32 s6, $0x7;
	s11 =	sadd.s32 s9, s5  }
0xc: {  	s12 =	ssub.s32 s7, s10;
	s9 =	sor.u32 $0x2, s31;
	s10 =	sor.u32 $0x3, s31  }
0xd: {  	s5 =	sadd.s32 s2, s8;
	s11 =	sadd.s32 $0xF43400, s11;
	s12 =	smax.u32 s12, $0x1  }
0xe: {  	s6 =	sadd.s32 $0xB, s5;
	s7 =	sadd.s32 $0x19, s5;
	s8 =	sadd.s32 $0x24, s5  }
.LBB2_1:
0xf: {  	[tilespmem:s3], [sflag:$0x1] =	stream.linear.gather [hbm4b:s5+s3], $0x80, $0x38;
	[tilespmem:$0x14200] =	vst v63  }
0x10: {  	_ = 	snop  }
0x11: {  	[tilespmem:s13], [sflag:$0x1] =	stream.linear.gather [hbm4b:s6+s3], $0x80, $0x38;
	[tilespmem:$0x14200] =	vst v63  }
0x12: {  	_ =	swait.ge [sflag:s14], $0x80  }
0x13: {  	[sflag:s14] =	ssyncset.done $0x0  }
0x14: {  	[sflag:s14] =	ssyncadd.s32 $0xFFFFFF80  }
0x15: {  	_ =	swait.ge [sflag:s14], $0x80  }
0x16: {  	[sflag:s14] =	ssyncset.done $0x0  }
0x17: {  	[sflag:s14] =	ssyncadd.s32 $0xFFFFFF80  }
0x18: {  	[tilespmem:s15], [sflag:$0x3] =	stream.indirect.gather [hbm4b:s4+s13], $0x80, s3, s13, $0xb8;
	[tilespmem:$0x14200] =	vst v63  }
0x19: {  	_ = 	snop  }
0x1a: {  	[tilespmem:s16], [sflag:$0x3] =	stream.indirect.gather [hbm4b:s4+s13], $0x80, s13, s13, $0xb8;
	[tilespmem:$0x14200] =	vst v63  }
0x1b: {  	_ = 	snop  }
0x1c: {  	[tilespmem:s17], [sflag:$0x2] =	stream.linear.gather [hbm4b:s7+s3], $0x80, $0x38;
	[tilespmem:$0x14200] =	vst v63  }
0x1d: {  	s26 =	simm.s32 $0x0  }
0x1e: {  	[tilespmem:s18], [sflag:$0x2] =	stream.linear.gather [hbm4b:s8+s3], $0x80, $0x38;
	[tilespmem:$0x14200] =	vst v63  }
.LBB2_2:
0x1f: {  	_ =	swait.ge [sflag:s19], $0x80  }
0x20: {  	[sflag:s19] =	ssyncset.done $0x0  }
0x21: {  	[sflag:s19] =	ssyncadd.s32 $0xFFFFFF80  }
0x22: {  	_ =	swait.ge [sflag:s19], $0x80  }
0x23: {  	[sflag:s19] =	ssyncset.done $0x0  }
0x24: {  	[sflag:s19] =	ssyncadd.s32 $0xFFFFFF80  }
0x25: {  	[tilespmem:s20], [sflag:$0x4] =	stream.indirect.gather [hbm4b:s4+s13], $0x80, s17, s13, $0xb8;
	[tilespmem:$0x14200] =	vst v63  }
0x26: {  	_ = 	snop  }
0x27: {  	[tilespmem:s21], [sflag:$0x4] =	stream.indirect.gather [hbm4b:s4+s13], $0x80, s18, s13, $0xb8;
	[tilespmem:$0x14200] =	vst v63  }
0x28: {  	s29 =	sshll.u32 s26, $0x1;
	p0 =	seq.s32 s26, $0x3F;
	_ =	swait.ge [sflag:s22], $0x4000  }
0x29: {  	s28 =	sadd.s32 @!p0 s29, s9;
	[sflag:s22] =	ssyncset.done $0x0  }
0x2a: {  	s28 =	smul.u32 @!p0 $0xC8, s28;
	[sflag:s22] =	ssyncadd.s32 $0xFFFFC000  }
0x2b: {  	s31 =	simm.s32 @!p0 $0x0;
	_ =	swait.ge [sflag:s22], $0x4000  }
0x2c: {  	s30 =	sshrl.u32 @!p0 s28, $0x3;
	s28 =	sadd.s32 @!p0 $0x58, s28;
	[sflag:s22] =	ssyncset.done $0x0  }
0x2d: {  	s30 =	sadd.s32 @!p0 s2, s30;
	s28 =	sshrl.u32 @!p0 s28, $0x3;
	[sflag:s22] =	ssyncadd.s32 $0xFFFFC000  }
0x2e: {  	[tilespmem:s31], [sflag:$0x1] =	stream.linear.gather @!p0 [hbm4b:s30+s31], $0x80, $0x38;
	[tilespmem:$0x14200] =	vst v63  }
0x2f: {  	s28 =	sadd.s32 @!p0 s2, s28;
	s30 =	simm.s32 @!p0 $0x80  }
0x30: {  	[tilespmem:s30], [sflag:$0x1] =	stream.linear.gather @!p0 [hbm4b:s28+s31], $0x80, $0x38;
	[tilespmem:$0x14200] =	vst v63  }
0x31: {  	s28 =	simm.s32 $0x0  }
0x32: {  	v0 =	vld [tilespmem:s28+$0x254]  }
0x33: {  	v7 =	vld [tilespmem:s28+$0x200]  }
0x34: {  	v3 =	vld [tilespmem:s28+$0x210]  }
0x35: {  	v4 =	vld [tilespmem:s28+$0x220]  }
0x36: {  	v2 =	vimm.f32 $0.0e+00;
	v5 =	vld [tilespmem:s28+$0x230]  }
0x37: {  	v9 =	vimm.f32 $0.0e+00;
	v10 =	vimm.f32 $0.0e+00;
	v8 =	vimm.f32 $0.0e+00;
	v6 =	vld [tilespmem:s28+$0x240]  }
0x38: {  	s30 =	simm.s32 $0x80;
	s31 =	simm.s32 $0x400;
	v11 =	vld [tilespmem:s28+$0x250];
	v1 =	vadd.f32 v0, v2;
	v0 =	vadd.f32 v7, v2;
	v7 =	vimm.f32 $0.0e+00  }
.LBB2_3:
0x39: {  	p1 =	sne.s32 s31, $0xDE00;
	v12 =	vld [tilespmem:s30+$0x254];
	v2 =	vadd.f32 v3, v2  }
0x3a: {  	v13 =	vld [tilespmem:s30+$0x200];
	v7 =	vadd.f32 v4, v7  }
.Ltmp0:
0x3b: {  	v3 =	vld [tilespmem:s30+$0x210];
	v9 =	vadd.f32 v5, v9;
	(pc) =	sbr.rel @p1 .LBB2_3-.Ltmp0, $4  }
0x3c: {  	v4 =	vld [tilespmem:s30+$0x220];
	v10 =	vadd.f32 v6, v10  }
0x3d: {  	v5 =	vld [tilespmem:s30+$0x230];
	v8 =	vadd.f32 v11, v8  }
0x3e: {  	v6 =	vld [tilespmem:s30+$0x240];
	v1 =	vadd.f32 v12, v1  }
0x3f: {  	v0 =	vadd.f32 v13, v0;
	v11 =	vld [tilespmem:s30+$0x250];
	s30 =	sshra.s32 s31, $0x2;
	s31 =	sadd.s32 $0x200, s31  }
0x40: {  	v12 =	vld [tilespmem:s30+$0x254]  }
0x41: {  	v13 =	vld [tilespmem:s30+$0x200]  }
0x42: {  	v14 =	vld [tilespmem:s30+$0x210]  }
0x43: {  	v15 =	vld [tilespmem:s30+$0x220]  }
0x44: {  	v16 =	vld [tilespmem:s30+$0x230]  }
0x45: {  	v17 =	vld [tilespmem:s30+$0x240]  }
0x46: {  	v18 =	vld [tilespmem:s30+$0x250]  }
0x47: {  	v2 =	vadd.f32 v3, v2;
	v19 =	vld [tilespmem:s28+$0x4E54];
	v3 =	vadd.f32 v4, v7  }
0x48: {  	v20 =	vld [tilespmem:s28+$0x4E00];
	v9 =	vadd.f32 v5, v9;
	v10 =	vadd.f32 v6, v10  }
0x49: {  	v6 =	vld [tilespmem:s28+$0x4E10];
	v11 =	vadd.f32 v11, v8;
	v12 =	vadd.f32 v12, v1  }
0x4a: {  	v7 =	vld [tilespmem:s28+$0x4E20];
	v13 =	vadd.f32 v13, v0;
	v4 =	vadd.f32 v14, v2  }
0x4b: {  	v8 =	vld [tilespmem:s28+$0x4E30];
	v5 =	vadd.f32 v15, v3;
	v3 =	vadd.f32 v16, v9  }
0x4c: {  	v2 =	vadd.f32 v17, v10;
	v9 =	vld [tilespmem:s28+$0x4E40];
	v1 =	vadd.f32 v18, v11  }
0x4d: {  	s30 =	simm.s32 $0x80;
	s31 =	simm.s32 $0x400;
	v10 =	vld [tilespmem:s28+$0x4E50];
	v0 =	vadd.f32 v19, v12;
	v11 =	vadd.f32 v20, v13  }
.LBB2_5:
0x4e: {  	p1 =	sne.s32 s31, $0xAE00;
	v12 =	vld [tilespmem:s30+$0x4E54];
	v4 =	vadd.f32 v6, v4  }
0x4f: {  	v13 =	vld [tilespmem:s30+$0x4E00];
	v5 =	vadd.f32 v7, v5  }
.Ltmp1:
0x50: {  	v6 =	vld [tilespmem:s30+$0x4E10];
	v3 =	vadd.f32 v8, v3;
	(pc) =	sbr.rel @p1 .LBB2_5-.Ltmp1, $4  }
0x51: {  	v7 =	vld [tilespmem:s30+$0x4E20];
	v2 =	vadd.f32 v9, v2  }
0x52: {  	v8 =	vld [tilespmem:s30+$0x4E30];
	v1 =	vadd.f32 v10, v1  }
0x53: {  	v9 =	vld [tilespmem:s30+$0x4E40];
	v0 =	vadd.f32 v12, v0  }
0x54: {  	v11 =	vadd.f32 v13, v11;
	v10 =	vld [tilespmem:s30+$0x4E50];
	s30 =	sshra.s32 s31, $0x2;
	s31 =	sadd.s32 $0x200, s31  }
0x55: {  	v12 =	vld [tilespmem:s30+$0x4E00]  }
0x56: {  	v13 =	vld [tilespmem:s30+$0x4E10]  }
0x57: {  	v14 =	vld [tilespmem:s30+$0x4E20]  }
0x58: {  	v15 =	vld [tilespmem:s30+$0x4E30]  }
0x59: {  	v4 =	vadd.f32 v6, v4;
	v6 =	vld [tilespmem:s30+$0x4E40]  }
0x5a: {  	v5 =	vadd.f32 v7, v5;
	v7 =	vadd.f32 v12, v11;
	v11 =	vld [tilespmem:s30+$0x4E50]  }
0x5b: {  	v3 =	vadd.f32 v8, v3;
	v8 =	vld [tilespmem:s30+$0x4E54];
	v4 =	vadd.f32 v13, v4  }
0x5c: {  	s28 =	sshll.u32 s26, $0x8;
	v2 =	vadd.f32 v9, v2;
	v5 =	vadd.f32 v14, v5;
	v7 =	vmul.f32 $4.999999890e-03, v7  }
0x5d: {  	s28 =	sand.u32 $0x3FFFFF00, s28;
	v1 =	vadd.f32 v10, v1;
	v3 =	vadd.f32 v15, v3;
	v4 =	vmul.f32 $4.999999890e-03, v4  }
0x5e: {  	v2 =	vadd.f32 v6, v2;
	v5 =	vmul.f32 $4.999999890e-03, v5;
	[tilespmem:s28+$0x10200] =	vst v7  }
0x5f: {  	v3 =	vmul.f32 $4.999999890e-03, v3;
	[tilespmem:s28+$0x10210] =	vst v4;
	v1 =	vadd.f32 v11, v1  }
0x60: {  	v0 =	vadd.f32 v8, v0;
	v2 =	vmul.f32 $4.999999890e-03, v2;
	[tilespmem:s28+$0x10220] =	vst v5  }
0x61: {  	[tilespmem:s28+$0x10230] =	vst v3;
	v1 =	vmul.f32 $4.999999890e-03, v1  }
0x62: {  	[tilespmem:s28+$0x10240] =	vst v2;
	v0 =	vmul.f32 $4.999999890e-03, v0  }
0x63: {  	[tilespmem:s28+$0x10250] =	vst v1  }
0x64: {  	s30 =	simm.s32 @p0 $0x4;
	[tilespmem:s28+$0x10254] =	vst v0  }
0x65: {  	_ =	swait.ge @p0 [sflag:s30], $0x4000  }
0x66: {  	[sflag:s30] =	ssyncset.done @p0 $0x0  }
0x67: {  	[sflag:s30] =	ssyncadd.s32 @p0 $0xFFFFC000  }
0x68: {  	_ =	swait.ge @p0 [sflag:s30], $0x4000  }
0x69: {  	[sflag:s30] =	ssyncset.done @p0 $0x0  }
0x6a: {  	[sflag:s30] =	ssyncadd.s32 @p0 $0xFFFFC000;
	s30 =	simm.s32 @!p0 $0x1  }
0x6b: {  	_ =	swait.ge @!p0 [sflag:s30], $0x80  }
0x6c: {  	[sflag:s30] =	ssyncset.done @!p0 $0x0  }
0x6d: {  	[sflag:s30] =	ssyncadd.s32 @!p0 $0xFFFFFF80  }
0x6e: {  	_ =	swait.ge @!p0 [sflag:s30], $0x80  }
0x6f: {  	s31 =	simm.s32 @!p0 $0x0;
	[sflag:s30] =	ssyncset.done @!p0 $0x0  }
0x70: {  	s0 =	simm.s32 @!p0 $0x200;
	[sflag:s30] =	ssyncadd.s32 @!p0 $0xFFFFFF80;
	s30 =	simm.s32 @!p0 $0x80  }
0x71: {  	[tilespmem:s0], [sflag:$0x3] =	stream.indirect.gather @!p0 [hbm4b:s4+s30], $0x80, s31, s30, $0xb8;
	[tilespmem:$0x14200] =	vst v63  }
0x72: {  	s0 =	simm.s32 @!p0 $0x4200  }
0x73: {  	[tilespmem:s0], [sflag:$0x3] =	stream.indirect.gather @!p0 [hbm4b:s4+s30], $0x80, s30, s30, $0xb8;
	[tilespmem:$0x14200] =	vst v63  }
0x74: {  	s0 =	simm.s32 @!p0 $0x4  }
0x75: {  	_ =	swait.ge @!p0 [sflag:s0], $0x4000  }
0x76: {  	[sflag:s0] =	ssyncset.done @!p0 $0x0  }
0x77: {  	s29 =	sadd.s32 @!p0 s29, s10;
	[sflag:s0] =	ssyncadd.s32 @!p0 $0xFFFFC000  }
0x78: {  	s29 =	smul.u32 @!p0 $0xC8, s29;
	_ =	swait.ge @!p0 [sflag:s0], $0x4000  }
0x79: {  	[sflag:s0] =	ssyncset.done @!p0 $0x0  }
0x7a: {  	[sflag:s0] =	ssyncadd.s32 @!p0 $0xFFFFC000;
	s0 =	sshrl.u32 @!p0 s29, $0x3  }
0x7b: {  	s30 =	simm.s32 @!p0 $0x100;
	s29 =	sadd.s32 @!p0 $0x58, s29;
	s0 =	sadd.s32 @!p0 s2, s0  }
0x7c: {  	[tilespmem:s30], [sflag:$0x2] =	stream.linear.gather @!p0 [hbm4b:s0+s31], $0x80, $0x38;
	[tilespmem:$0x14200] =	vst v63  }
0x7d: {  	s0 =	sshrl.u32 @!p0 s29, $0x3  }
0x7e: {  	s29 =	simm.s32 @!p0 $0x180;
	s0 =	sadd.s32 @!p0 s2, s0  }
0x7f: {  	[tilespmem:s29], [sflag:$0x2] =	stream.linear.gather @!p0 [hbm4b:s0+s31], $0x80, $0x38;
	[tilespmem:$0x14200] =	vst v63  }
0x80: {  	s29 =	simm.s32 $0x0  }
0x81: {  	v0 =	vld [tilespmem:s29+$0x8254]  }
0x82: {  	v7 =	vld [tilespmem:s29+$0x8200]  }
0x83: {  	v3 =	vld [tilespmem:s29+$0x8210]  }
0x84: {  	v4 =	vld [tilespmem:s29+$0x8220]  }
0x85: {  	v9 =	vimm.f32 $0.0e+00;
	v5 =	vld [tilespmem:s29+$0x8230]  }
0x86: {  	v10 =	vimm.f32 $0.0e+00;
	v8 =	vimm.f32 $0.0e+00;
	v2 =	vimm.f32 $0.0e+00;
	v6 =	vld [tilespmem:s29+$0x8240]  }
0x87: {  	s30 =	simm.s32 $0x80;
	s31 =	simm.s32 $0x400;
	v11 =	vld [tilespmem:s29+$0x8250];
	v1 =	vadd.f32 v0, v2;
	v0 =	vadd.f32 v7, v2;
	v7 =	vimm.f32 $0.0e+00  }
.LBB2_7:
0x88: {  	p0 =	sne.s32 s31, $0xDE00;
	v12 =	vld [tilespmem:s30+$0x8254];
	v2 =	vadd.f32 v3, v2  }
0x89: {  	v13 =	vld [tilespmem:s30+$0x8200];
	v7 =	vadd.f32 v4, v7  }
.Ltmp2:
0x8a: {  	v3 =	vld [tilespmem:s30+$0x8210];
	v9 =	vadd.f32 v5, v9;
	(pc) =	sbr.rel @p0 .LBB2_7-.Ltmp2, $4  }
0x8b: {  	v4 =	vld [tilespmem:s30+$0x8220];
	v10 =	vadd.f32 v6, v10  }
0x8c: {  	v5 =	vld [tilespmem:s30+$0x8230];
	v8 =	vadd.f32 v11, v8  }
0x8d: {  	v6 =	vld [tilespmem:s30+$0x8240];
	v1 =	vadd.f32 v12, v1  }
0x8e: {  	v0 =	vadd.f32 v13, v0;
	v11 =	vld [tilespmem:s30+$0x8250];
	s30 =	sshra.s32 s31, $0x2;
	s31 =	sadd.s32 $0x200, s31  }
0x8f: {  	v12 =	vld [tilespmem:s30+$0x8254]  }
0x90: {  	v13 =	vld [tilespmem:s30+$0x8200]  }
0x91: {  	v14 =	vld [tilespmem:s30+$0x8210]  }
0x92: {  	v15 =	vld [tilespmem:s30+$0x8220]  }
0x93: {  	v16 =	vld [tilespmem:s30+$0x8230]  }
0x94: {  	v17 =	vld [tilespmem:s30+$0x8240]  }
0x95: {  	v18 =	vld [tilespmem:s30+$0x8250]  }
0x96: {  	v2 =	vadd.f32 v3, v2;
	v19 =	vld [tilespmem:s29+$0xCE54];
	v3 =	vadd.f32 v4, v7  }
0x97: {  	v20 =	vld [tilespmem:s29+$0xCE00];
	v9 =	vadd.f32 v5, v9;
	v10 =	vadd.f32 v6, v10  }
0x98: {  	v6 =	vld [tilespmem:s29+$0xCE10];
	v11 =	vadd.f32 v11, v8;
	v12 =	vadd.f32 v12, v1  }
0x99: {  	v7 =	vld [tilespmem:s29+$0xCE20];
	v13 =	vadd.f32 v13, v0;
	v4 =	vadd.f32 v14, v2  }
0x9a: {  	v8 =	vld [tilespmem:s29+$0xCE30];
	v5 =	vadd.f32 v15, v3;
	v3 =	vadd.f32 v16, v9  }
0x9b: {  	v2 =	vadd.f32 v17, v10;
	v9 =	vld [tilespmem:s29+$0xCE40];
	v1 =	vadd.f32 v18, v11  }
0x9c: {  	s30 =	simm.s32 $0x80;
	s31 =	simm.s32 $0x400;
	v10 =	vld [tilespmem:s29+$0xCE50];
	v0 =	vadd.f32 v19, v12;
	v11 =	vadd.f32 v20, v13  }
.LBB2_9:
0x9d: {  	p0 =	sne.s32 s31, $0xAE00;
	v12 =	vld [tilespmem:s30+$0xCE54];
	v4 =	vadd.f32 v6, v4  }
0x9e: {  	v13 =	vld [tilespmem:s30+$0xCE00];
	v5 =	vadd.f32 v7, v5  }
.Ltmp3:
0x9f: {  	v6 =	vld [tilespmem:s30+$0xCE10];
	v3 =	vadd.f32 v8, v3;
	(pc) =	sbr.rel @p0 .LBB2_9-.Ltmp3, $4  }
0xa0: {  	v7 =	vld [tilespmem:s30+$0xCE20];
	v2 =	vadd.f32 v9, v2  }
0xa1: {  	v8 =	vld [tilespmem:s30+$0xCE30];
	v1 =	vadd.f32 v10, v1  }
0xa2: {  	v9 =	vld [tilespmem:s30+$0xCE40];
	v0 =	vadd.f32 v12, v0  }
0xa3: {  	v11 =	vadd.f32 v13, v11;
	v10 =	vld [tilespmem:s30+$0xCE50];
	s30 =	sshra.s32 s31, $0x2;
	s31 =	sadd.s32 $0x200, s31  }
0xa4: {  	v12 =	vld [tilespmem:s30+$0xCE00]  }
0xa5: {  	v13 =	vld [tilespmem:s30+$0xCE10]  }
0xa6: {  	v14 =	vld [tilespmem:s30+$0xCE20]  }
0xa7: {  	v15 =	vld [tilespmem:s30+$0xCE30]  }
0xa8: {  	v4 =	vadd.f32 v6, v4;
	v60 =	vld [tilespmem:s30+$0xCE40]  }
0xa9: {  	v62 =	vld [tilespmem:s30+$0xCE50];
	v5 =	vadd.f32 v7, v5;
	v61 =	vadd.f32 v12, v11  }
0xaa: {  	v63 =	vld [tilespmem:s30+$0xCE54];
	v3 =	vadd.f32 v8, v3;
	v4 =	vadd.f32 v13, v4  }
0xab: {  	v2 =	vadd.f32 v9, v2;
	v5 =	vadd.f32 v14, v5;
	v7 =	vmul.f32 $4.999999890e-03, v61  }
0xac: {  	v1 =	vadd.f32 v10, v1;
	v3 =	vadd.f32 v15, v3;
	v4 =	vmul.f32 $4.999999890e-03, v4  }
0xad: {  	s26 =	sadd.s32 $0x1, s26;
	v2 =	vadd.f32 v60, v2;
	v5 =	vmul.f32 $4.999999890e-03, v5;
	[tilespmem:s28+$0x10280] =	vst v7  }
0xae: {  	p0 =	sne.s32 s26, $0x40;
	v1 =	vadd.f32 v62, v1;
	v3 =	vmul.f32 $4.999999890e-03, v3;
	[tilespmem:s28+$0x10290] =	vst v4  }
.Ltmp4:
0xaf: {  	v0 =	vadd.f32 v63, v0;
	v2 =	vmul.f32 $4.999999890e-03, v2;
	[tilespmem:s28+$0x102A0] =	vst v5;
	(pc) =	sbr.rel @p0 .LBB2_2-.Ltmp4, $4  }
0xb0: {  	v1 =	vmul.f32 $4.999999890e-03, v1;
	[tilespmem:s28+$0x102B0] =	vst v3  }
0xb1: {  	v0 =	vmul.f32 $4.999999890e-03, v0;
	[tilespmem:s28+$0x102C0] =	vst v2  }
0xb2: {  	[tilespmem:s28+$0x102D0] =	vst v1  }
0xb3: {  	[tilespmem:s28+$0x102D4] =	vst v0  }
0xb4: {  	s25 =	sadd.s32 $0x1, s25  }
0xb5: {  	p0 =	sne.s32 s25, s12  }
.Ltmp5:
0xb6: {  	_ = 	snop;
	(pc) =	sbr.rel @p0 .LBB2_1-.Ltmp5, $4  }
0xb7: {  	[hbm4b:s11+s3] =	stream.linear.scatter [tilespmem:s23], [sflag:$0x5], $0x4000, $0x38;
	[tilespmem:$0x14200] =	vst v63  }
0xb8: {  	_ =	swait.ge [sflag:s24], $0x4000  }
0xb9: {  	[sflag:s24] =	ssyncset.done $0x0  }
0xba: {  	[sflag:s24] =	ssyncadd.s32 $0xFFFFC000  }
0xbb: {  	_ =	sfence.sel $0x180000  }
0xbc: {  	[bflag:$0x0] =	sbarrier.arrive $0xFFFF  }
0xbd: {  	_ =	strace $0x90000047  }
0xbe: {  	[bflag:$0x2] =	sbarrier.arrive $0xFFFF  }
0xbf: {  	p0 =	sne.s32 s1, $0x0;
	s0 =	rddreg [dreg:$0x2]  }
0xc0: {  	s0 =	sadd.s32 @!p0 $0x100000, s0  }
0xc1: {  	[sflag:s0] =	ssyncadd.tile.s32 @!p0 $0x1;
	_ =	shalt  }
.Lfunc_end2:
_tile_overlayer_lowered:
.L_overlay_start_2:
0xc2: {  	(tag) =	ssettag $0x2  }
0xc3: {  	s0 =	rddreg [dreg:$0x0];
	s2 =	stileid.u32  }
0xc4: {  	s1 =	rddreg [dreg:$0x1];
	p0 =	sne.s32 s2, $0x0  }
0xc5: {  	s3 =	rddreg [dreg:$0x2];
	[bflag:$0x3] =	sbarrier.arrive $0xFFFF;
	s2 =	simm.s32 @!p0 $0x1C05  }
0xc6: {  	[timem:s3], [sflag:s2] =	dma.local @!p0 [hbm:s0], s1  }
0xc7: {  	s0 =	simm.s32 @!p0 $0x5  }
0xc8: {  	_ =	swait.ge @!p0 [sflag:s0], s1  }
0xc9: {  	s1 =	ssub.s32 @!p0 $0x0, s1;
	[sflag:s0] =	ssyncset.done @!p0 $0x0  }
0xca: {  	[sflag:s0] =	ssyncadd.s32 @!p0 s1  }
0xcb: {  	[bflag:$0x3] =	sbarrier.arrive $0xFFFF  }
0xcc: {  	_ =	shalt  }

</sc_bundles>
